<compile_context>
chip_gen: v7x
topology: tpu7x:2x2x1
jax: 0.10.2.dev20260603
libtpu: 0.0.44.dev20260713+nightly
codegen_flags: <defaults>
</compile_context>

<pallas_src>
import functools

import jax
import jax.numpy as jnp
from jax import lax
from jax.experimental import pallas as pl
from jax.experimental.pallas import tpu as pltpu
from jax.experimental.pallas import tpu_sc as plsc


@functools.lru_cache(maxsize=None)
def _build_sc_gather(V, S_s, S_m, D, R, cs):
    info = plsc.get_sparse_core_info()
    nc, ns = info.num_cores, info.num_subcores
    nw = nc * ns
    rpw = R // nw
    n_chunks = rpw // cs
    mesh = plsc.VectorSubcoreMesh(core_axis_name="c", subcore_axis_name="s")

    @functools.partial(
        pl.kernel,
        mesh=mesh,
        out_type=jax.ShapeDtypeStruct((R, S_m + S_s, D), jnp.float32),
        scratch_types=[
            pltpu.VMEM((n_chunks, cs), jnp.int32),
            pltpu.VMEM((cs, S_s, D), jnp.float32),
            pltpu.VMEM((cs, S_s, D), jnp.float32),
            pltpu.VMEM((cs, S_s, D), jnp.float32),
            pltpu.SemaphoreType.DMA,
            pltpu.SemaphoreType.DMA,
            pltpu.SemaphoreType.DMA,
            pltpu.SemaphoreType.DMA,
            pltpu.SemaphoreType.DMA,
            pltpu.SemaphoreType.DMA,
        ],
    )
    def k(ids2d_hbm, table_hbm, out_hbm,
          idx_v, g0, g1, g2, gs0, gs1, gs2, ws0, ws1, ws2):
        wid = lax.axis_index("s") * nc + lax.axis_index("c")
        base = wid * rpw
        gath_v = (g0, g1, g2)
        gsem = (gs0, gs1, gs2)
        wsem = (ws0, ws1, ws2)

        pltpu.sync_copy(ids2d_hbm.at[pl.ds(wid * n_chunks, n_chunks), :], idx_v)

        def start_gather(c, b):
            return pltpu.async_copy(table_hbm.at[idx_v.at[c]], gath_v[b],
                                    gsem[b])

        g = [start_gather(0, 0), start_gather(1, 1), None]
        w = [None, None, None]
        for c in range(n_chunks):
            b = c % 3
            pb = (c + 2) % 3
            if c + 2 < n_chunks:
                if w[pb] is not None:
                    w[pb].wait()
                g[pb] = start_gather(c + 2, pb)
            row0 = base + c * cs
            g[b].wait()
            w[b] = pltpu.async_copy(
                gath_v[b], out_hbm.at[pl.ds(row0, cs), pl.ds(S_m, S_s), :],
                wsem[b])
        for b in range(3):
            if w[b] is not None:
                w[b].wait()

    return k


@functools.lru_cache(maxsize=None)
def _build_tc_market_fill(S_s, S_m, D, R, mrep):
    n_dmas = R // mrep

    def body(io_in_ref, mk_ref, io_out_ref, rep_ref, sem):
        del io_in_ref
        rep_ref[0] = mk_ref[...]
        k = 1
        while k < mrep:
            rep_ref[pl.ds(k, k)] = rep_ref[pl.ds(0, k)]
            k *= 2
        dmas = [
            pltpu.make_async_copy(
                rep_ref,
                io_out_ref.at[pl.ds(j * mrep, mrep), pl.ds(0, S_m), :],
                sem)
            for j in range(n_dmas)
        ]
        for d in dmas:
            d.start()
        for d in dmas:
            d.wait()

    return pl.pallas_call(
        body,
        out_shape=jax.ShapeDtypeStruct((R, S_m + S_s, D), jnp.float32),
        in_specs=[
            pl.BlockSpec(memory_space=pltpu.MemorySpace.HBM),
            pl.BlockSpec(memory_space=pltpu.VMEM),
        ],
        out_specs=pl.BlockSpec(memory_space=pltpu.MemorySpace.HBM),
        scratch_shapes=[
            pltpu.VMEM((mrep, S_m, D), jnp.float32),
            pltpu.SemaphoreType.DMA,
        ],
        input_output_aliases={0: 0},
    )


def kernel(market_memory, symbol_memory, symbol_ids, batch_size, num_symbols):
    S_m, D = market_memory.shape
    V, S_s, _ = symbol_memory.shape
    b, n = symbol_ids.shape
    R = b * n
    cs = 32
    ids2d = symbol_ids.reshape(R // cs, cs).astype(jnp.int32)
    gath = _build_sc_gather(V, S_s, S_m, D, R, cs)(ids2d, symbol_memory)
    out = _build_tc_market_fill(S_s, S_m, D, R, 128)(gath, market_memory)
    return out.reshape(b, n, S_m + S_s, D)

# --- scband reference (transcript-rebuilt; emitter-appended) ---
"""Pipeline reference for scband-persistent-memory-bank-82351702933812 (READ-ONLY COPY).

The authoritative reference and input builder live on the scoring server;
editing this copy changes nothing except your own understanding.
"""

import jax, jax.numpy as jnp
import numpy as np

D_MODEL = 128
NUM_MARKET_SLOTS = 16
NUM_SYMBOL_SLOTS = 8
NUM_SYMBOLS_TOTAL = 100000
INIT_STD = 0.02
B = 32
N = 256


def setup_inputs(seed: int = 0) -> dict:
    key = jax.random.key(seed)
    k1, k2, k3 = jax.random.split(key, 3)
    market_memory = jax.random.normal(k1, (NUM_MARKET_SLOTS, D_MODEL), dtype=jnp.float32) * INIT_STD
    symbol_memory = jax.random.normal(k2, (NUM_SYMBOLS_TOTAL, NUM_SYMBOL_SLOTS, D_MODEL), dtype=jnp.float32) * INIT_STD
    symbol_ids = jax.random.randint(k3, (B, N), 0, NUM_SYMBOLS_TOTAL, dtype=jnp.int32)
    return {
        "market_memory": market_memory,
        "symbol_memory": symbol_memory,
        "symbol_ids": symbol_ids,
        "batch_size": B,
        "num_symbols": N,
    }


def reference(market_memory, symbol_memory, symbol_ids, batch_size, num_symbols):
    # market memory: [S_m, d] -> [B, N, S_m, d] (broadcast/expand)
    S_m, d = market_memory.shape
    b, n = symbol_ids.shape
    market = jnp.broadcast_to(
        market_memory.reshape(1, 1, S_m, d), (b, n, S_m, d)
    )
    # symbol memory gather: symbol_ids is [B, N]; sym[ids] -> [B, N, S_s, d]
    size_zero = (0 * (jnp.asarray(batch_size) + jnp.asarray(num_symbols))).astype(jnp.int32)
    ids = symbol_ids.astype(jnp.int32) + size_zero
    sym_tokens = jnp.take(symbol_memory, ids, axis=0)
    # concat along slot dim (dim=2)
    return jnp.concatenate([market, sym_tokens], axis=2)

if __name__ == "__main__":
    import jax
    _d = setup_inputs()
    print(jax.jit(kernel)(*tuple(_d.values())))

</pallas_src>

<mosaic_0001>
#map = affine_map<(d0, d1) -> (0, 0)>
#map1 = affine_map<(d0, d1) -> (0, 0, 0)>
module attributes {stable_mosaic.version = 14 : i64} {
  func.func @k(%arg0: i32, %arg1: i32, %arg2: memref<256x32xi32, #tpu.memory_space<hbm>>, %arg3: memref<100000x8x128xf32, #tpu.memory_space<hbm>>, %arg4: memref<8192x24x128xf32, #tpu.memory_space<hbm>>, %arg5: memref<8x32xi32, #tpu.memory_space<vmem>>, %arg6: memref<32x8x128xf32, #tpu.memory_space<vmem>>, %arg7: memref<32x8x128xf32, #tpu.memory_space<vmem>>, %arg8: memref<32x8x128xf32, #tpu.memory_space<vmem>>, %arg9: memref<!tpu.dma_semaphore, #tpu.memory_space<semaphore_mem>>, %arg10: memref<!tpu.dma_semaphore, #tpu.memory_space<semaphore_mem>>, %arg11: memref<!tpu.dma_semaphore, #tpu.memory_space<semaphore_mem>>, %arg12: memref<!tpu.dma_semaphore, #tpu.memory_space<semaphore_mem>>, %arg13: memref<!tpu.dma_semaphore, #tpu.memory_space<semaphore_mem>>, %arg14: memref<!tpu.dma_semaphore, #tpu.memory_space<semaphore_mem>>) attributes {dimension_semantics = [#tpu.dimension_semantics<core_parallel>, #tpu.dimension_semantics<subcore_parallel>], iteration_bounds = array<i64: 2, 16>, scalar_prefetch = 0 : i64, scratch_operands = 10 : i64, tpu.core_type = #tpu.core_type<sc_vector_subcore>, window_params = [{transform_indices = #map}, {transform_indices = #map1}, {transform_indices = #map1}]} {
    %mul3A = arith.constant 2 : i32
    %mul3A_0 = arith.muli %arg1, %mul3A : i32
    %add3A = arith.addi %mul3A_0, %arg0 : i32
    %mul3A_1 = arith.constant 256 : i32
    %mul3A_2 = arith.muli %add3A, %mul3A_1 : i32
    %mul3A_3 = arith.constant 8 : i32
    %mul3A_4 = arith.muli %add3A, %mul3A_3 : i32
    "tpu.region"() ({
      %run_scoped3A = tpu.sem_alloc : memref<!tpu.dma_semaphore, #tpu.memory_space<semaphore_mem>>
      %dma_start3A_243 = arith.constant 0 : i32
      %dma_start3A_244 = tpu.memref_slice %arg2[%mul3A_4, %dma_start3A_243] : memref<256x32xi32, #tpu.memory_space<hbm>> -> memref<8x32xi32, #tpu.memory_space<hbm>>
      %dma_start3A_245 = arith.constant 0 : i32
      %dma_start3A_246 = tpu.memref_slice %arg2[%mul3A_4, %dma_start3A_245] : memref<256x32xi32, #tpu.memory_space<hbm>> -> memref<8x32xi32, #tpu.memory_space<hbm>>
      tpu.enqueue_dma source(%dma_start3A_246 : memref<8x32xi32, #tpu.memory_space<hbm>>) target(%arg5 : memref<8x32xi32, #tpu.memory_space<vmem>>) target_semaphore(%run_scoped3A : memref<!tpu.dma_semaphore, #tpu.memory_space<semaphore_mem>>)
      %dma_wait3A_247 = arith.constant 0 : i32
      %dma_wait3A_248 = tpu.memref_slice %arg2[%mul3A_4, %dma_wait3A_247] : memref<256x32xi32, #tpu.memory_space<hbm>> -> memref<8x32xi32, #tpu.memory_space<hbm>>
      %dma_wait3A_249 = arith.constant 0 : i32
      %dma_wait3A_250 = tpu.memref_slice %arg2[%mul3A_4, %dma_wait3A_249] : memref<256x32xi32, #tpu.memory_space<hbm>> -> memref<8x32xi32, #tpu.memory_space<hbm>>
      tpu.wait_dma2 semaphore(%run_scoped3A : memref<!tpu.dma_semaphore, #tpu.memory_space<semaphore_mem>>) src(%dma_wait3A_250 : memref<8x32xi32, #tpu.memory_space<hbm>>) dst(%arg5 : memref<8x32xi32, #tpu.memory_space<vmem>>)
      tpu.yield
    }) : () -> ()
    %dma_start3A = arith.constant 0 : i32
    %dma_start3A_5 = arith.constant 0 : i32
    %dma_start3A_6 = tpu.memref_slice %arg5[%dma_start3A, %dma_start3A_5] : memref<8x32xi32, #tpu.memory_space<vmem>> -> memref<1x32xi32, #tpu.memory_space<vmem>>
    %dma_start3A_7 = tpu.memref_squeeze %dma_start3A_6 : memref<1x32xi32, #tpu.memory_space<vmem>> -> memref<32xi32, #tpu.memory_space<vmem>>
    %dma_start3A_8 = arith.constant 0 : i32
    %dma_start3A_9 = arith.constant 0 : i32
    %dma_start3A_10 = arith.constant 0 : i32
    %dma_start3A_11 = tpu.memref_slice %arg3[%dma_start3A_8, %dma_start3A_9, %dma_start3A_10] : memref<100000x8x128xf32, #tpu.memory_space<hbm>> -> memref<100000x8x128xf32, #tpu.memory_space<hbm>>
    tpu.enqueue_indirect_dma source(%dma_start3A_11 : memref<100000x8x128xf32, #tpu.memory_space<hbm>>) target(%arg6 : memref<32x8x128xf32, #tpu.memory_space<vmem>>) offsets(%dma_start3A_7 : memref<32xi32, #tpu.memory_space<vmem>>) semaphore(%arg9 : memref<!tpu.dma_semaphore, #tpu.memory_space<semaphore_mem>>)
    %dma_start3A_12 = arith.constant 1 : i32
    %dma_start3A_13 = arith.constant 0 : i32
    %dma_start3A_14 = tpu.memref_slice %arg5[%dma_start3A_12, %dma_start3A_13] : memref<8x32xi32, #tpu.memory_space<vmem>> -> memref<1x32xi32, #tpu.memory_space<vmem>>
    %dma_start3A_15 = tpu.memref_squeeze %dma_start3A_14 : memref<1x32xi32, #tpu.memory_space<vmem>> -> memref<32xi32, #tpu.memory_space<vmem>>
    %dma_start3A_16 = arith.constant 0 : i32
    %dma_start3A_17 = arith.constant 0 : i32
    %dma_start3A_18 = arith.constant 0 : i32
    %dma_start3A_19 = tpu.memref_slice %arg3[%dma_start3A_16, %dma_start3A_17, %dma_start3A_18] : memref<100000x8x128xf32, #tpu.memory_space<hbm>> -> memref<100000x8x128xf32, #tpu.memory_space<hbm>>
    tpu.enqueue_indirect_dma source(%dma_start3A_19 : memref<100000x8x128xf32, #tpu.memory_space<hbm>>) target(%arg7 : memref<32x8x128xf32, #tpu.memory_space<vmem>>) offsets(%dma_start3A_15 : memref<32xi32, #tpu.memory_space<vmem>>) semaphore(%arg10 : memref<!tpu.dma_semaphore, #tpu.memory_space<semaphore_mem>>)
    %dma_start3A_20 = arith.constant 2 : i32
    %dma_start3A_21 = arith.constant 0 : i32
    %dma_start3A_22 = tpu.memref_slice %arg5[%dma_start3A_20, %dma_start3A_21] : memref<8x32xi32, #tpu.memory_space<vmem>> -> memref<1x32xi32, #tpu.memory_space<vmem>>
    %dma_start3A_23 = tpu.memref_squeeze %dma_start3A_22 : memref<1x32xi32, #tpu.memory_space<vmem>> -> memref<32xi32, #tpu.memory_space<vmem>>
    %dma_start3A_24 = arith.constant 0 : i32
    %dma_start3A_25 = arith.constant 0 : i32
    %dma_start3A_26 = arith.constant 0 : i32
    %dma_start3A_27 = tpu.memref_slice %arg3[%dma_start3A_24, %dma_start3A_25, %dma_start3A_26] : memref<100000x8x128xf32, #tpu.memory_space<hbm>> -> memref<100000x8x128xf32, #tpu.memory_space<hbm>>
    tpu.enqueue_indirect_dma source(%dma_start3A_27 : memref<100000x8x128xf32, #tpu.memory_space<hbm>>) target(%arg8 : memref<32x8x128xf32, #tpu.memory_space<vmem>>) offsets(%dma_start3A_23 : memref<32xi32, #tpu.memory_space<vmem>>) semaphore(%arg11 : memref<!tpu.dma_semaphore, #tpu.memory_space<semaphore_mem>>)
    %add3A_28 = arith.constant 0 : i32
    %add3A_29 = arith.addi %mul3A_2, %add3A_28 : i32
    %dma_wait3A = arith.constant 0 : i32
    %dma_wait3A_30 = arith.constant 0 : i32
    %dma_wait3A_31 = tpu.memref_slice %arg5[%dma_wait3A, %dma_wait3A_30] : memref<8x32xi32, #tpu.memory_space<vmem>> -> memref<1x32xi32, #tpu.memory_space<vmem>>
    %dma_wait3A_32 = tpu.memref_squeeze %dma_wait3A_31 : memref<1x32xi32, #tpu.memory_space<vmem>> -> memref<32xi32, #tpu.memory_space<vmem>>
    %dma_wait3A_33 = arith.constant 0 : i32
    %dma_wait3A_34 = arith.constant 0 : i32
    %dma_wait3A_35 = arith.constant 0 : i32
    %dma_wait3A_36 = tpu.memref_slice %arg3[%dma_wait3A_33, %dma_wait3A_34, %dma_wait3A_35] : memref<100000x8x128xf32, #tpu.memory_space<hbm>> -> memref<100000x8x128xf32, #tpu.memory_space<hbm>>
    tpu.wait_indirect_dma semaphore(%arg9 : memref<!tpu.dma_semaphore, #tpu.memory_space<semaphore_mem>>) src(%dma_wait3A_36 : memref<100000x8x128xf32, #tpu.memory_space<hbm>>) dst(%arg6 : memref<32x8x128xf32, #tpu.memory_space<vmem>>)
    %dma_start3A_37 = arith.constant 16 : i32
    %dma_start3A_38 = arith.constant 0 : i32
    %dma_start3A_39 = tpu.memref_slice %arg4[%add3A_29, %dma_start3A_37, %dma_start3A_38] : memref<8192x24x128xf32, #tpu.memory_space<hbm>> -> memref<32x8x128xf32, #tpu.memory_space<hbm>>
    %dma_start3A_40 = arith.constant 16 : i32
    %dma_start3A_41 = arith.constant 0 : i32
    %dma_start3A_42 = tpu.memref_slice %arg4[%add3A_29, %dma_start3A_40, %dma_start3A_41] : memref<8192x24x128xf32, #tpu.memory_space<hbm>> -> memref<32x8x128xf32, #tpu.memory_space<hbm>>
    tpu.enqueue_dma source(%arg6 : memref<32x8x128xf32, #tpu.memory_space<vmem>>) target(%dma_start3A_42 : memref<32x8x128xf32, #tpu.memory_space<hbm>>) target_semaphore(%arg12 : memref<!tpu.dma_semaphore, #tpu.memory_space<semaphore_mem>>)
    %dma_wait3A_43 = arith.constant 16 : i32
    %dma_wait3A_44 = arith.constant 0 : i32
    %dma_wait3A_45 = tpu.memref_slice %arg4[%add3A_29, %dma_wait3A_43, %dma_wait3A_44] : memref<8192x24x128xf32, #tpu.memory_space<hbm>> -> memref<32x8x128xf32, #tpu.memory_space<hbm>>
    %dma_wait3A_46 = arith.constant 16 : i32
    %dma_wait3A_47 = arith.constant 0 : i32
    %dma_wait3A_48 = tpu.memref_slice %arg4[%add3A_29, %dma_wait3A_46, %dma_wait3A_47] : memref<8192x24x128xf32, #tpu.memory_space<hbm>> -> memref<32x8x128xf32, #tpu.memory_space<hbm>>
    tpu.wait_dma2 semaphore(%arg12 : memref<!tpu.dma_semaphore, #tpu.memory_space<semaphore_mem>>) src(%arg6 : memref<32x8x128xf32, #tpu.memory_space<vmem>>) dst(%dma_wait3A_48 : memref<32x8x128xf32, #tpu.memory_space<hbm>>)
    %dma_start3A_49 = arith.constant 3 : i32
    %dma_start3A_50 = arith.constant 0 : i32
    %dma_start3A_51 = tpu.memref_slice %arg5[%dma_start3A_49, %dma_start3A_50] : memref<8x32xi32, #tpu.memory_space<vmem>> -> memref<1x32xi32, #tpu.memory_space<vmem>>
    %dma_start3A_52 = tpu.memref_squeeze %dma_start3A_51 : memref<1x32xi32, #tpu.memory_space<vmem>> -> memref<32xi32, #tpu.memory_space<vmem>>
    %dma_start3A_53 = arith.constant 0 : i32
    %dma_start3A_54 = arith.constant 0 : i32
    %dma_start3A_55 = arith.constant 0 : i32
    %dma_start3A_56 = tpu.memref_slice %arg3[%dma_start3A_53, %dma_start3A_54, %dma_start3A_55] : memref<100000x8x128xf32, #tpu.memory_space<hbm>> -> memref<100000x8x128xf32, #tpu.memory_space<hbm>>
    tpu.enqueue_indirect_dma source(%dma_start3A_56 : memref<100000x8x128xf32, #tpu.memory_space<hbm>>) target(%arg6 : memref<32x8x128xf32, #tpu.memory_space<vmem>>) offsets(%dma_start3A_52 : memref<32xi32, #tpu.memory_space<vmem>>) semaphore(%arg9 : memref<!tpu.dma_semaphore, #tpu.memory_space<semaphore_mem>>)
    %add3A_57 = arith.constant 32 : i32
    %add3A_58 = arith.addi %mul3A_2, %add3A_57 : i32
    %dma_wait3A_59 = arith.constant 1 : i32
    %dma_wait3A_60 = arith.constant 0 : i32
    %dma_wait3A_61 = tpu.memref_slice %arg5[%dma_wait3A_59, %dma_wait3A_60] : memref<8x32xi32, #tpu.memory_space<vmem>> -> memref<1x32xi32, #tpu.memory_space<vmem>>
    %dma_wait3A_62 = tpu.memref_squeeze %dma_wait3A_61 : memref<1x32xi32, #tpu.memory_space<vmem>> -> memref<32xi32, #tpu.memory_space<vmem>>
    %dma_wait3A_63 = arith.constant 0 : i32
    %dma_wait3A_64 = arith.constant 0 : i32
    %dma_wait3A_65 = arith.constant 0 : i32
    %dma_wait3A_66 = tpu.memref_slice %arg3[%dma_wait3A_63, %dma_wait3A_64, %dma_wait3A_65] : memref<100000x8x128xf32, #tpu.memory_space<hbm>> -> memref<100000x8x128xf32, #tpu.memory_space<hbm>>
    tpu.wait_indirect_dma semaphore(%arg10 : memref<!tpu.dma_semaphore, #tpu.memory_space<semaphore_mem>>) src(%dma_wait3A_66 : memref<100000x8x128xf32, #tpu.memory_space<hbm>>) dst(%arg7 : memref<32x8x128xf32, #tpu.memory_space<vmem>>)
    %dma_start3A_67 = arith.constant 16 : i32
    %dma_start3A_68 = arith.constant 0 : i32
    %dma_start3A_69 = tpu.memref_slice %arg4[%add3A_58, %dma_start3A_67, %dma_start3A_68] : memref<8192x24x128xf32, #tpu.memory_space<hbm>> -> memref<32x8x128xf32, #tpu.memory_space<hbm>>
    %dma_start3A_70 = arith.constant 16 : i32
    %dma_start3A_71 = arith.constant 0 : i32
    %dma_start3A_72 = tpu.memref_slice %arg4[%add3A_58, %dma_start3A_70, %dma_start3A_71] : memref<8192x24x128xf32, #tpu.memory_space<hbm>> -> memref<32x8x128xf32, #tpu.memory_space<hbm>>
    tpu.enqueue_dma source(%arg7 : memref<32x8x128xf32, #tpu.memory_space<vmem>>) target(%dma_start3A_72 : memref<32x8x128xf32, #tpu.memory_space<hbm>>) target_semaphore(%arg13 : memref<!tpu.dma_semaphore, #tpu.memory_space<semaphore_mem>>)
    %dma_wait3A_73 = arith.constant 16 : i32
    %dma_wait3A_74 = arith.constant 0 : i32
    %dma_wait3A_75 = tpu.memref_slice %arg4[%add3A_58, %dma_wait3A_73, %dma_wait3A_74] : memref<8192x24x128xf32, #tpu.memory_space<hbm>> -> memref<32x8x128xf32, #tpu.memory_space<hbm>>
    %dma_wait3A_76 = arith.constant 16 : i32
    %dma_wait3A_77 = arith.constant 0 : i32
    %dma_wait3A_78 = tpu.memref_slice %arg4[%add3A_58, %dma_wait3A_76, %dma_wait3A_77] : memref<8192x24x128xf32, #tpu.memory_space<hbm>> -> memref<32x8x128xf32, #tpu.memory_space<hbm>>
    tpu.wait_dma2 semaphore(%arg13 : memref<!tpu.dma_semaphore, #tpu.memory_space<semaphore_mem>>) src(%arg7 : memref<32x8x128xf32, #tpu.memory_space<vmem>>) dst(%dma_wait3A_78 : memref<32x8x128xf32, #tpu.memory_space<hbm>>)
    %dma_start3A_79 = arith.constant 4 : i32
    %dma_start3A_80 = arith.constant 0 : i32
    %dma_start3A_81 = tpu.memref_slice %arg5[%dma_start3A_79, %dma_start3A_80] : memref<8x32xi32, #tpu.memory_space<vmem>> -> memref<1x32xi32, #tpu.memory_space<vmem>>
    %dma_start3A_82 = tpu.memref_squeeze %dma_start3A_81 : memref<1x32xi32, #tpu.memory_space<vmem>> -> memref<32xi32, #tpu.memory_space<vmem>>
    %dma_start3A_83 = arith.constant 0 : i32
    %dma_start3A_84 = arith.constant 0 : i32
    %dma_start3A_85 = arith.constant 0 : i32
    %dma_start3A_86 = tpu.memref_slice %arg3[%dma_start3A_83, %dma_start3A_84, %dma_start3A_85] : memref<100000x8x128xf32, #tpu.memory_space<hbm>> -> memref<100000x8x128xf32, #tpu.memory_space<hbm>>
    tpu.enqueue_indirect_dma source(%dma_start3A_86 : memref<100000x8x128xf32, #tpu.memory_space<hbm>>) target(%arg7 : memref<32x8x128xf32, #tpu.memory_space<vmem>>) offsets(%dma_start3A_82 : memref<32xi32, #tpu.memory_space<vmem>>) semaphore(%arg10 : memref<!tpu.dma_semaphore, #tpu.memory_space<semaphore_mem>>)
    %add3A_87 = arith.constant 64 : i32
    %add3A_88 = arith.addi %mul3A_2, %add3A_87 : i32
    %dma_wait3A_89 = arith.constant 2 : i32
    %dma_wait3A_90 = arith.constant 0 : i32
    %dma_wait3A_91 = tpu.memref_slice %arg5[%dma_wait3A_89, %dma_wait3A_90] : memref<8x32xi32, #tpu.memory_space<vmem>> -> memref<1x32xi32, #tpu.memory_space<vmem>>
    %dma_wait3A_92 = tpu.memref_squeeze %dma_wait3A_91 : memref<1x32xi32, #tpu.memory_space<vmem>> -> memref<32xi32, #tpu.memory_space<vmem>>
    %dma_wait3A_93 = arith.constant 0 : i32
    %dma_wait3A_94 = arith.constant 0 : i32
    %dma_wait3A_95 = arith.constant 0 : i32
    %dma_wait3A_96 = tpu.memref_slice %arg3[%dma_wait3A_93, %dma_wait3A_94, %dma_wait3A_95] : memref<100000x8x128xf32, #tpu.memory_space<hbm>> -> memref<100000x8x128xf32, #tpu.memory_space<hbm>>
    tpu.wait_indirect_dma semaphore(%arg11 : memref<!tpu.dma_semaphore, #tpu.memory_space<semaphore_mem>>) src(%dma_wait3A_96 : memref<100000x8x128xf32, #tpu.memory_space<hbm>>) dst(%arg8 : memref<32x8x128xf32, #tpu.memory_space<vmem>>)
    %dma_start3A_97 = arith.constant 16 : i32
    %dma_start3A_98 = arith.constant 0 : i32
    %dma_start3A_99 = tpu.memref_slice %arg4[%add3A_88, %dma_start3A_97, %dma_start3A_98] : memref<8192x24x128xf32, #tpu.memory_space<hbm>> -> memref<32x8x128xf32, #tpu.memory_space<hbm>>
    %dma_start3A_100 = arith.constant 16 : i32
    %dma_start3A_101 = arith.constant 0 : i32
    %dma_start3A_102 = tpu.memref_slice %arg4[%add3A_88, %dma_start3A_100, %dma_start3A_101] : memref<8192x24x128xf32, #tpu.memory_space<hbm>> -> memref<32x8x128xf32, #tpu.memory_space<hbm>>
    tpu.enqueue_dma source(%arg8 : memref<32x8x128xf32, #tpu.memory_space<vmem>>) target(%dma_start3A_102 : memref<32x8x128xf32, #tpu.memory_space<hbm>>) target_semaphore(%arg14 : memref<!tpu.dma_semaphore, #tpu.memory_space<semaphore_mem>>)
    %dma_wait3A_103 = arith.constant 16 : i32
    %dma_wait3A_104 = arith.constant 0 : i32
    %dma_wait3A_105 = tpu.memref_slice %arg4[%add3A_88, %dma_wait3A_103, %dma_wait3A_104] : memref<8192x24x128xf32, #tpu.memory_space<hbm>> -> memref<32x8x128xf32, #tpu.memory_space<hbm>>
    %dma_wait3A_106 = arith.constant 16 : i32
    %dma_wait3A_107 = arith.constant 0 : i32
    %dma_wait3A_108 = tpu.memref_slice %arg4[%add3A_88, %dma_wait3A_106, %dma_wait3A_107] : memref<8192x24x128xf32, #tpu.memory_space<hbm>> -> memref<32x8x128xf32, #tpu.memory_space<hbm>>
    tpu.wait_dma2 semaphore(%arg14 : memref<!tpu.dma_semaphore, #tpu.memory_space<semaphore_mem>>) src(%arg8 : memref<32x8x128xf32, #tpu.memory_space<vmem>>) dst(%dma_wait3A_108 : memref<32x8x128xf32, #tpu.memory_space<hbm>>)
    %dma_start3A_109 = arith.constant 5 : i32
    %dma_start3A_110 = arith.constant 0 : i32
    %dma_start3A_111 = tpu.memref_slice %arg5[%dma_start3A_109, %dma_start3A_110] : memref<8x32xi32, #tpu.memory_space<vmem>> -> memref<1x32xi32, #tpu.memory_space<vmem>>
    %dma_start3A_112 = tpu.memref_squeeze %dma_start3A_111 : memref<1x32xi32, #tpu.memory_space<vmem>> -> memref<32xi32, #tpu.memory_space<vmem>>
    %dma_start3A_113 = arith.constant 0 : i32
    %dma_start3A_114 = arith.constant 0 : i32
    %dma_start3A_115 = arith.constant 0 : i32
    %dma_start3A_116 = tpu.memref_slice %arg3[%dma_start3A_113, %dma_start3A_114, %dma_start3A_115] : memref<100000x8x128xf32, #tpu.memory_space<hbm>> -> memref<100000x8x128xf32, #tpu.memory_space<hbm>>
    tpu.enqueue_indirect_dma source(%dma_start3A_116 : memref<100000x8x128xf32, #tpu.memory_space<hbm>>) target(%arg8 : memref<32x8x128xf32, #tpu.memory_space<vmem>>) offsets(%dma_start3A_112 : memref<32xi32, #tpu.memory_space<vmem>>) semaphore(%arg11 : memref<!tpu.dma_semaphore, #tpu.memory_space<semaphore_mem>>)
    %add3A_117 = arith.constant 96 : i32
    %add3A_118 = arith.addi %mul3A_2, %add3A_117 : i32
    %dma_wait3A_119 = arith.constant 3 : i32
    %dma_wait3A_120 = arith.constant 0 : i32
    %dma_wait3A_121 = tpu.memref_slice %arg5[%dma_wait3A_119, %dma_wait3A_120] : memref<8x32xi32, #tpu.memory_space<vmem>> -> memref<1x32xi32, #tpu.memory_space<vmem>>
    %dma_wait3A_122 = tpu.memref_squeeze %dma_wait3A_121 : memref<1x32xi32, #tpu.memory_space<vmem>> -> memref<32xi32, #tpu.memory_space<vmem>>
    %dma_wait3A_123 = arith.constant 0 : i32
    %dma_wait3A_124 = arith.constant 0 : i32
    %dma_wait3A_125 = arith.constant 0 : i32
    %dma_wait3A_126 = tpu.memref_slice %arg3[%dma_wait3A_123, %dma_wait3A_124, %dma_wait3A_125] : memref<100000x8x128xf32, #tpu.memory_space<hbm>> -> memref<100000x8x128xf32, #tpu.memory_space<hbm>>
    tpu.wait_indirect_dma semaphore(%arg9 : memref<!tpu.dma_semaphore, #tpu.memory_space<semaphore_mem>>) src(%dma_wait3A_126 : memref<100000x8x128xf32, #tpu.memory_space<hbm>>) dst(%arg6 : memref<32x8x128xf32, #tpu.memory_space<vmem>>)
    %dma_start3A_127 = arith.constant 16 : i32
    %dma_start3A_128 = arith.constant 0 : i32
    %dma_start3A_129 = tpu.memref_slice %arg4[%add3A_118, %dma_start3A_127, %dma_start3A_128] : memref<8192x24x128xf32, #tpu.memory_space<hbm>> -> memref<32x8x128xf32, #tpu.memory_space<hbm>>
    %dma_start3A_130 = arith.constant 16 : i32
    %dma_start3A_131 = arith.constant 0 : i32
    %dma_start3A_132 = tpu.memref_slice %arg4[%add3A_118, %dma_start3A_130, %dma_start3A_131] : memref<8192x24x128xf32, #tpu.memory_space<hbm>> -> memref<32x8x128xf32, #tpu.memory_space<hbm>>
    tpu.enqueue_dma source(%arg6 : memref<32x8x128xf32, #tpu.memory_space<vmem>>) target(%dma_start3A_132 : memref<32x8x128xf32, #tpu.memory_space<hbm>>) target_semaphore(%arg12 : memref<!tpu.dma_semaphore, #tpu.memory_space<semaphore_mem>>)
    %dma_wait3A_133 = arith.constant 16 : i32
    %dma_wait3A_134 = arith.constant 0 : i32
    %dma_wait3A_135 = tpu.memref_slice %arg4[%add3A_118, %dma_wait3A_133, %dma_wait3A_134] : memref<8192x24x128xf32, #tpu.memory_space<hbm>> -> memref<32x8x128xf32, #tpu.memory_space<hbm>>
    %dma_wait3A_136 = arith.constant 16 : i32
    %dma_wait3A_137 = arith.constant 0 : i32
    %dma_wait3A_138 = tpu.memref_slice %arg4[%add3A_118, %dma_wait3A_136, %dma_wait3A_137] : memref<8192x24x128xf32, #tpu.memory_space<hbm>> -> memref<32x8x128xf32, #tpu.memory_space<hbm>>
    tpu.wait_dma2 semaphore(%arg12 : memref<!tpu.dma_semaphore, #tpu.memory_space<semaphore_mem>>) src(%arg6 : memref<32x8x128xf32, #tpu.memory_space<vmem>>) dst(%dma_wait3A_138 : memref<32x8x128xf32, #tpu.memory_space<hbm>>)
    %dma_start3A_139 = arith.constant 6 : i32
    %dma_start3A_140 = arith.constant 0 : i32
    %dma_start3A_141 = tpu.memref_slice %arg5[%dma_start3A_139, %dma_start3A_140] : memref<8x32xi32, #tpu.memory_space<vmem>> -> memref<1x32xi32, #tpu.memory_space<vmem>>
    %dma_start3A_142 = tpu.memref_squeeze %dma_start3A_141 : memref<1x32xi32, #tpu.memory_space<vmem>> -> memref<32xi32, #tpu.memory_space<vmem>>
    %dma_start3A_143 = arith.constant 0 : i32
    %dma_start3A_144 = arith.constant 0 : i32
    %dma_start3A_145 = arith.constant 0 : i32
    %dma_start3A_146 = tpu.memref_slice %arg3[%dma_start3A_143, %dma_start3A_144, %dma_start3A_145] : memref<100000x8x128xf32, #tpu.memory_space<hbm>> -> memref<100000x8x128xf32, #tpu.memory_space<hbm>>
    tpu.enqueue_indirect_dma source(%dma_start3A_146 : memref<100000x8x128xf32, #tpu.memory_space<hbm>>) target(%arg6 : memref<32x8x128xf32, #tpu.memory_space<vmem>>) offsets(%dma_start3A_142 : memref<32xi32, #tpu.memory_space<vmem>>) semaphore(%arg9 : memref<!tpu.dma_semaphore, #tpu.memory_space<semaphore_mem>>)
    %add3A_147 = arith.constant 128 : i32
    %add3A_148 = arith.addi %mul3A_2, %add3A_147 : i32
    %dma_wait3A_149 = arith.constant 4 : i32
    %dma_wait3A_150 = arith.constant 0 : i32
    %dma_wait3A_151 = tpu.memref_slice %arg5[%dma_wait3A_149, %dma_wait3A_150] : memref<8x32xi32, #tpu.memory_space<vmem>> -> memref<1x32xi32, #tpu.memory_space<vmem>>
    %dma_wait3A_152 = tpu.memref_squeeze %dma_wait3A_151 : memref<1x32xi32, #tpu.memory_space<vmem>> -> memref<32xi32, #tpu.memory_space<vmem>>
    %dma_wait3A_153 = arith.constant 0 : i32
    %dma_wait3A_154 = arith.constant 0 : i32
    %dma_wait3A_155 = arith.constant 0 : i32
    %dma_wait3A_156 = tpu.memref_slice %arg3[%dma_wait3A_153, %dma_wait3A_154, %dma_wait3A_155] : memref<100000x8x128xf32, #tpu.memory_space<hbm>> -> memref<100000x8x128xf32, #tpu.memory_space<hbm>>
    tpu.wait_indirect_dma semaphore(%arg10 : memref<!tpu.dma_semaphore, #tpu.memory_space<semaphore_mem>>) src(%dma_wait3A_156 : memref<100000x8x128xf32, #tpu.memory_space<hbm>>) dst(%arg7 : memref<32x8x128xf32, #tpu.memory_space<vmem>>)
    %dma_start3A_157 = arith.constant 16 : i32
    %dma_start3A_158 = arith.constant 0 : i32
    %dma_start3A_159 = tpu.memref_slice %arg4[%add3A_148, %dma_start3A_157, %dma_start3A_158] : memref<8192x24x128xf32, #tpu.memory_space<hbm>> -> memref<32x8x128xf32, #tpu.memory_space<hbm>>
    %dma_start3A_160 = arith.constant 16 : i32
    %dma_start3A_161 = arith.constant 0 : i32
    %dma_start3A_162 = tpu.memref_slice %arg4[%add3A_148, %dma_start3A_160, %dma_start3A_161] : memref<8192x24x128xf32, #tpu.memory_space<hbm>> -> memref<32x8x128xf32, #tpu.memory_space<hbm>>
    tpu.enqueue_dma source(%arg7 : memref<32x8x128xf32, #tpu.memory_space<vmem>>) target(%dma_start3A_162 : memref<32x8x128xf32, #tpu.memory_space<hbm>>) target_semaphore(%arg13 : memref<!tpu.dma_semaphore, #tpu.memory_space<semaphore_mem>>)
    %dma_wait3A_163 = arith.constant 16 : i32
    %dma_wait3A_164 = arith.constant 0 : i32
    %dma_wait3A_165 = tpu.memref_slice %arg4[%add3A_148, %dma_wait3A_163, %dma_wait3A_164] : memref<8192x24x128xf32, #tpu.memory_space<hbm>> -> memref<32x8x128xf32, #tpu.memory_space<hbm>>
    %dma_wait3A_166 = arith.constant 16 : i32
    %dma_wait3A_167 = arith.constant 0 : i32
    %dma_wait3A_168 = tpu.memref_slice %arg4[%add3A_148, %dma_wait3A_166, %dma_wait3A_167] : memref<8192x24x128xf32, #tpu.memory_space<hbm>> -> memref<32x8x128xf32, #tpu.memory_space<hbm>>
    tpu.wait_dma2 semaphore(%arg13 : memref<!tpu.dma_semaphore, #tpu.memory_space<semaphore_mem>>) src(%arg7 : memref<32x8x128xf32, #tpu.memory_space<vmem>>) dst(%dma_wait3A_168 : memref<32x8x128xf32, #tpu.memory_space<hbm>>)
    %dma_start3A_169 = arith.constant 7 : i32
    %dma_start3A_170 = arith.constant 0 : i32
    %dma_start3A_171 = tpu.memref_slice %arg5[%dma_start3A_169, %dma_start3A_170] : memref<8x32xi32, #tpu.memory_space<vmem>> -> memref<1x32xi32, #tpu.memory_space<vmem>>
    %dma_start3A_172 = tpu.memref_squeeze %dma_start3A_171 : memref<1x32xi32, #tpu.memory_space<vmem>> -> memref<32xi32, #tpu.memory_space<vmem>>
    %dma_start3A_173 = arith.constant 0 : i32
    %dma_start3A_174 = arith.constant 0 : i32
    %dma_start3A_175 = arith.constant 0 : i32
    %dma_start3A_176 = tpu.memref_slice %arg3[%dma_start3A_173, %dma_start3A_174, %dma_start3A_175] : memref<100000x8x128xf32, #tpu.memory_space<hbm>> -> memref<100000x8x128xf32, #tpu.memory_space<hbm>>
    tpu.enqueue_indirect_dma source(%dma_start3A_176 : memref<100000x8x128xf32, #tpu.memory_space<hbm>>) target(%arg7 : memref<32x8x128xf32, #tpu.memory_space<vmem>>) offsets(%dma_start3A_172 : memref<32xi32, #tpu.memory_space<vmem>>) semaphore(%arg10 : memref<!tpu.dma_semaphore, #tpu.memory_space<semaphore_mem>>)
    %add3A_177 = arith.constant 160 : i32
    %add3A_178 = arith.addi %mul3A_2, %add3A_177 : i32
    %dma_wait3A_179 = arith.constant 5 : i32
    %dma_wait3A_180 = arith.constant 0 : i32
    %dma_wait3A_181 = tpu.memref_slice %arg5[%dma_wait3A_179, %dma_wait3A_180] : memref<8x32xi32, #tpu.memory_space<vmem>> -> memref<1x32xi32, #tpu.memory_space<vmem>>
    %dma_wait3A_182 = tpu.memref_squeeze %dma_wait3A_181 : memref<1x32xi32, #tpu.memory_space<vmem>> -> memref<32xi32, #tpu.memory_space<vmem>>
    %dma_wait3A_183 = arith.constant 0 : i32
    %dma_wait3A_184 = arith.constant 0 : i32
    %dma_wait3A_185 = arith.constant 0 : i32
    %dma_wait3A_186 = tpu.memref_slice %arg3[%dma_wait3A_183, %dma_wait3A_184, %dma_wait3A_185] : memref<100000x8x128xf32, #tpu.memory_space<hbm>> -> memref<100000x8x128xf32, #tpu.memory_space<hbm>>
    tpu.wait_indirect_dma semaphore(%arg11 : memref<!tpu.dma_semaphore, #tpu.memory_space<semaphore_mem>>) src(%dma_wait3A_186 : memref<100000x8x128xf32, #tpu.memory_space<hbm>>) dst(%arg8 : memref<32x8x128xf32, #tpu.memory_space<vmem>>)
    %dma_start3A_187 = arith.constant 16 : i32
    %dma_start3A_188 = arith.constant 0 : i32
    %dma_start3A_189 = tpu.memref_slice %arg4[%add3A_178, %dma_start3A_187, %dma_start3A_188] : memref<8192x24x128xf32, #tpu.memory_space<hbm>> -> memref<32x8x128xf32, #tpu.memory_space<hbm>>
    %dma_start3A_190 = arith.constant 16 : i32
    %dma_start3A_191 = arith.constant 0 : i32
    %dma_start3A_192 = tpu.memref_slice %arg4[%add3A_178, %dma_start3A_190, %dma_start3A_191] : memref<8192x24x128xf32, #tpu.memory_space<hbm>> -> memref<32x8x128xf32, #tpu.memory_space<hbm>>
    tpu.enqueue_dma source(%arg8 : memref<32x8x128xf32, #tpu.memory_space<vmem>>) target(%dma_start3A_192 : memref<32x8x128xf32, #tpu.memory_space<hbm>>) target_semaphore(%arg14 : memref<!tpu.dma_semaphore, #tpu.memory_space<semaphore_mem>>)
    %add3A_193 = arith.constant 192 : i32
    %add3A_194 = arith.addi %mul3A_2, %add3A_193 : i32
    %dma_wait3A_195 = arith.constant 6 : i32
    %dma_wait3A_196 = arith.constant 0 : i32
    %dma_wait3A_197 = tpu.memref_slice %arg5[%dma_wait3A_195, %dma_wait3A_196] : memref<8x32xi32, #tpu.memory_space<vmem>> -> memref<1x32xi32, #tpu.memory_space<vmem>>
    %dma_wait3A_198 = tpu.memref_squeeze %dma_wait3A_197 : memref<1x32xi32, #tpu.memory_space<vmem>> -> memref<32xi32, #tpu.memory_space<vmem>>
    %dma_wait3A_199 = arith.constant 0 : i32
    %dma_wait3A_200 = arith.constant 0 : i32
    %dma_wait3A_201 = arith.constant 0 : i32
    %dma_wait3A_202 = tpu.memref_slice %arg3[%dma_wait3A_199, %dma_wait3A_200, %dma_wait3A_201] : memref<100000x8x128xf32, #tpu.memory_space<hbm>> -> memref<100000x8x128xf32, #tpu.memory_space<hbm>>
    tpu.wait_indirect_dma semaphore(%arg9 : memref<!tpu.dma_semaphore, #tpu.memory_space<semaphore_mem>>) src(%dma_wait3A_202 : memref<100000x8x128xf32, #tpu.memory_space<hbm>>) dst(%arg6 : memref<32x8x128xf32, #tpu.memory_space<vmem>>)
    %dma_start3A_203 = arith.constant 16 : i32
    %dma_start3A_204 = arith.constant 0 : i32
    %dma_start3A_205 = tpu.memref_slice %arg4[%add3A_194, %dma_start3A_203, %dma_start3A_204] : memref<8192x24x128xf32, #tpu.memory_space<hbm>> -> memref<32x8x128xf32, #tpu.memory_space<hbm>>
    %dma_start3A_206 = arith.constant 16 : i32
    %dma_start3A_207 = arith.constant 0 : i32
    %dma_start3A_208 = tpu.memref_slice %arg4[%add3A_194, %dma_start3A_206, %dma_start3A_207] : memref<8192x24x128xf32, #tpu.memory_space<hbm>> -> memref<32x8x128xf32, #tpu.memory_space<hbm>>
    tpu.enqueue_dma source(%arg6 : memref<32x8x128xf32, #tpu.memory_space<vmem>>) target(%dma_start3A_208 : memref<32x8x128xf32, #tpu.memory_space<hbm>>) target_semaphore(%arg12 : memref<!tpu.dma_semaphore, #tpu.memory_space<semaphore_mem>>)
    %add3A_209 = arith.constant 224 : i32
    %add3A_210 = arith.addi %mul3A_2, %add3A_209 : i32
    %dma_wait3A_211 = arith.constant 7 : i32
    %dma_wait3A_212 = arith.constant 0 : i32
    %dma_wait3A_213 = tpu.memref_slice %arg5[%dma_wait3A_211, %dma_wait3A_212] : memref<8x32xi32, #tpu.memory_space<vmem>> -> memref<1x32xi32, #tpu.memory_space<vmem>>
    %dma_wait3A_214 = tpu.memref_squeeze %dma_wait3A_213 : memref<1x32xi32, #tpu.memory_space<vmem>> -> memref<32xi32, #tpu.memory_space<vmem>>
    %dma_wait3A_215 = arith.constant 0 : i32
    %dma_wait3A_216 = arith.constant 0 : i32
    %dma_wait3A_217 = arith.constant 0 : i32
    %dma_wait3A_218 = tpu.memref_slice %arg3[%dma_wait3A_215, %dma_wait3A_216, %dma_wait3A_217] : memref<100000x8x128xf32, #tpu.memory_space<hbm>> -> memref<100000x8x128xf32, #tpu.memory_space<hbm>>
    tpu.wait_indirect_dma semaphore(%arg10 : memref<!tpu.dma_semaphore, #tpu.memory_space<semaphore_mem>>) src(%dma_wait3A_218 : memref<100000x8x128xf32, #tpu.memory_space<hbm>>) dst(%arg7 : memref<32x8x128xf32, #tpu.memory_space<vmem>>)
    %dma_start3A_219 = arith.constant 16 : i32
    %dma_start3A_220 = arith.constant 0 : i32
    %dma_start3A_221 = tpu.memref_slice %arg4[%add3A_210, %dma_start3A_219, %dma_start3A_220] : memref<8192x24x128xf32, #tpu.memory_space<hbm>> -> memref<32x8x128xf32, #tpu.memory_space<hbm>>
    %dma_start3A_222 = arith.constant 16 : i32
    %dma_start3A_223 = arith.constant 0 : i32
    %dma_start3A_224 = tpu.memref_slice %arg4[%add3A_210, %dma_start3A_222, %dma_start3A_223] : memref<8192x24x128xf32, #tpu.memory_space<hbm>> -> memref<32x8x128xf32, #tpu.memory_space<hbm>>
    tpu.enqueue_dma source(%arg7 : memref<32x8x128xf32, #tpu.memory_space<vmem>>) target(%dma_start3A_224 : memref<32x8x128xf32, #tpu.memory_space<hbm>>) target_semaphore(%arg13 : memref<!tpu.dma_semaphore, #tpu.memory_space<semaphore_mem>>)
    %dma_wait3A_225 = arith.constant 16 : i32
    %dma_wait3A_226 = arith.constant 0 : i32
    %dma_wait3A_227 = tpu.memref_slice %arg4[%add3A_194, %dma_wait3A_225, %dma_wait3A_226] : memref<8192x24x128xf32, #tpu.memory_space<hbm>> -> memref<32x8x128xf32, #tpu.memory_space<hbm>>
    %dma_wait3A_228 = arith.constant 16 : i32
    %dma_wait3A_229 = arith.constant 0 : i32
    %dma_wait3A_230 = tpu.memref_slice %arg4[%add3A_194, %dma_wait3A_228, %dma_wait3A_229] : memref<8192x24x128xf32, #tpu.memory_space<hbm>> -> memref<32x8x128xf32, #tpu.memory_space<hbm>>
    tpu.wait_dma2 semaphore(%arg12 : memref<!tpu.dma_semaphore, #tpu.memory_space<semaphore_mem>>) src(%arg6 : memref<32x8x128xf32, #tpu.memory_space<vmem>>) dst(%dma_wait3A_230 : memref<32x8x128xf32, #tpu.memory_space<hbm>>)
    %dma_wait3A_231 = arith.constant 16 : i32
    %dma_wait3A_232 = arith.constant 0 : i32
    %dma_wait3A_233 = tpu.memref_slice %arg4[%add3A_210, %dma_wait3A_231, %dma_wait3A_232] : memref<8192x24x128xf32, #tpu.memory_space<hbm>> -> memref<32x8x128xf32, #tpu.memory_space<hbm>>
    %dma_wait3A_234 = arith.constant 16 : i32
    %dma_wait3A_235 = arith.constant 0 : i32
    %dma_wait3A_236 = tpu.memref_slice %arg4[%add3A_210, %dma_wait3A_234, %dma_wait3A_235] : memref<8192x24x128xf32, #tpu.memory_space<hbm>> -> memref<32x8x128xf32, #tpu.memory_space<hbm>>
    tpu.wait_dma2 semaphore(%arg13 : memref<!tpu.dma_semaphore, #tpu.memory_space<semaphore_mem>>) src(%arg7 : memref<32x8x128xf32, #tpu.memory_space<vmem>>) dst(%dma_wait3A_236 : memref<32x8x128xf32, #tpu.memory_space<hbm>>)
    %dma_wait3A_237 = arith.constant 16 : i32
    %dma_wait3A_238 = arith.constant 0 : i32
    %dma_wait3A_239 = tpu.memref_slice %arg4[%add3A_178, %dma_wait3A_237, %dma_wait3A_238] : memref<8192x24x128xf32, #tpu.memory_space<hbm>> -> memref<32x8x128xf32, #tpu.memory_space<hbm>>
    %dma_wait3A_240 = arith.constant 16 : i32
    %dma_wait3A_241 = arith.constant 0 : i32
    %dma_wait3A_242 = tpu.memref_slice %arg4[%add3A_178, %dma_wait3A_240, %dma_wait3A_241] : memref<8192x24x128xf32, #tpu.memory_space<hbm>> -> memref<32x8x128xf32, #tpu.memory_space<hbm>>
    tpu.wait_dma2 semaphore(%arg14 : memref<!tpu.dma_semaphore, #tpu.memory_space<semaphore_mem>>) src(%arg8 : memref<32x8x128xf32, #tpu.memory_space<vmem>>) dst(%dma_wait3A_242 : memref<32x8x128xf32, #tpu.memory_space<hbm>>)
    return
  }
}

module attributes {stable_mosaic.version = 14 : i64} {
  func.func @body(%arg0: memref<8192x24x128xf32, #tpu.memory_space<hbm>>, %arg1: memref<16x128xf32, #tpu.memory_space<vmem>>, %arg2: memref<8192x24x128xf32, #tpu.memory_space<hbm>>, %arg3: memref<128x16x128xf32, #tpu.memory_space<vmem>>, %arg4: memref<!tpu.dma_semaphore, #tpu.memory_space<semaphore_mem>>) attributes {dimension_semantics = [], scalar_prefetch = 0 : i64, scratch_operands = 2 : i64, tpu.core_type = #tpu.core_type<tc>} {
    %get3A = arith.constant 0 : index
    %get3A_0 = arith.constant 0 : index
    %get3A_1 = vector.load %arg1[%get3A, %get3A_0] : memref<16x128xf32, #tpu.memory_space<vmem>>, vector<16x128xf32>
    %swap3A = arith.constant 0 : index
    %swap3A_2 = arith.constant 0 : index
    %swap3A_3 = arith.constant 0 : index
    %swap3A_4 = vector.load %arg3[%swap3A, %swap3A_2, %swap3A_3] : memref<128x16x128xf32, #tpu.memory_space<vmem>>, vector<1x16x128xf32>
    %swap3A_5 = vector.shape_cast %swap3A_4 : vector<1x16x128xf32> to vector<16x128xf32>
    %swap3A_6 = vector.shape_cast %get3A_1 : vector<16x128xf32> to vector<1x16x128xf32>
    tpu.vector_store %arg3[%swap3A, %swap3A_2, %swap3A_3], %swap3A_6 {strides = array<i32>} : memref<128x16x128xf32, #tpu.memory_space<vmem>>, vector<1x16x128xf32>,
    %get3A_7 = arith.constant 0 : index
    %get3A_8 = arith.constant 0 : index
    %get3A_9 = arith.constant 0 : index
    %get3A_10 = vector.load %arg3[%get3A_7, %get3A_8, %get3A_9] : memref<128x16x128xf32, #tpu.memory_space<vmem>>, vector<1x16x128xf32>
    %swap3A_11 = arith.constant 1 : index
    %swap3A_12 = arith.constant 0 : index
    %swap3A_13 = arith.constant 0 : index
    %swap3A_14 = vector.load %arg3[%swap3A_11, %swap3A_12, %swap3A_13] : memref<128x16x128xf32, #tpu.memory_space<vmem>>, vector<1x16x128xf32>
    tpu.vector_store %arg3[%swap3A_11, %swap3A_12, %swap3A_13], %get3A_10 {strides = array<i32>} : memref<128x16x128xf32, #tpu.memory_space<vmem>>, vector<1x16x128xf32>,
    %get3A_15 = arith.constant 0 : index
    %get3A_16 = arith.constant 0 : index
    %get3A_17 = arith.constant 0 : index
    %get3A_18 = vector.load %arg3[%get3A_15, %get3A_16, %get3A_17] : memref<128x16x128xf32, #tpu.memory_space<vmem>>, vector<2x16x128xf32>
    %swap3A_19 = arith.constant 2 : index
    %swap3A_20 = arith.constant 0 : index
    %swap3A_21 = arith.constant 0 : index
    %swap3A_22 = vector.load %arg3[%swap3A_19, %swap3A_20, %swap3A_21] : memref<128x16x128xf32, #tpu.memory_space<vmem>>, vector<2x16x128xf32>
    tpu.vector_store %arg3[%swap3A_19, %swap3A_20, %swap3A_21], %get3A_18 {strides = array<i32>} : memref<128x16x128xf32, #tpu.memory_space<vmem>>, vector<2x16x128xf32>,
    %get3A_23 = arith.constant 0 : index
    %get3A_24 = arith.constant 0 : index
    %get3A_25 = arith.constant 0 : index
    %get3A_26 = vector.load %arg3[%get3A_23, %get3A_24, %get3A_25] : memref<128x16x128xf32, #tpu.memory_space<vmem>>, vector<4x16x128xf32>
    %swap3A_27 = arith.constant 4 : index
    %swap3A_28 = arith.constant 0 : index
    %swap3A_29 = arith.constant 0 : index
    %swap3A_30 = vector.load %arg3[%swap3A_27, %swap3A_28, %swap3A_29] : memref<128x16x128xf32, #tpu.memory_space<vmem>>, vector<4x16x128xf32>
    tpu.vector_store %arg3[%swap3A_27, %swap3A_28, %swap3A_29], %get3A_26 {strides = array<i32>} : memref<128x16x128xf32, #tpu.memory_space<vmem>>, vector<4x16x128xf32>,
    %get3A_31 = arith.constant 0 : index
    %get3A_32 = arith.constant 0 : index
    %get3A_33 = arith.constant 0 : index
    %get3A_34 = vector.load %arg3[%get3A_31, %get3A_32, %get3A_33] : memref<128x16x128xf32, #tpu.memory_space<vmem>>, vector<8x16x128xf32>
    %swap3A_35 = arith.constant 8 : index
    %swap3A_36 = arith.constant 0 : index
    %swap3A_37 = arith.constant 0 : index
    %swap3A_38 = vector.load %arg3[%swap3A_35, %swap3A_36, %swap3A_37] : memref<128x16x128xf32, #tpu.memory_space<vmem>>, vector<8x16x128xf32>
    tpu.vector_store %arg3[%swap3A_35, %swap3A_36, %swap3A_37], %get3A_34 {strides = array<i32>} : memref<128x16x128xf32, #tpu.memory_space<vmem>>, vector<8x16x128xf32>,
    %get3A_39 = arith.constant 0 : index
    %get3A_40 = arith.constant 0 : index
    %get3A_41 = arith.constant 0 : index
    %get3A_42 = vector.load %arg3[%get3A_39, %get3A_40, %get3A_41] : memref<128x16x128xf32, #tpu.memory_space<vmem>>, vector<16x16x128xf32>
    %swap3A_43 = arith.constant 16 : index
    %swap3A_44 = arith.constant 0 : index
    %swap3A_45 = arith.constant 0 : index
    %swap3A_46 = vector.load %arg3[%swap3A_43, %swap3A_44, %swap3A_45] : memref<128x16x128xf32, #tpu.memory_space<vmem>>, vector<16x16x128xf32>
    tpu.vector_store %arg3[%swap3A_43, %swap3A_44, %swap3A_45], %get3A_42 {strides = array<i32>} : memref<128x16x128xf32, #tpu.memory_space<vmem>>, vector<16x16x128xf32>,
    %get3A_47 = arith.constant 0 : index
    %get3A_48 = arith.constant 0 : index
    %get3A_49 = arith.constant 0 : index
    %get3A_50 = vector.load %arg3[%get3A_47, %get3A_48, %get3A_49] : memref<128x16x128xf32, #tpu.memory_space<vmem>>, vector<32x16x128xf32>
    %swap3A_51 = arith.constant 32 : index
    %swap3A_52 = arith.constant 0 : index
    %swap3A_53 = arith.constant 0 : index
    %swap3A_54 = vector.load %arg3[%swap3A_51, %swap3A_52, %swap3A_53] : memref<128x16x128xf32, #tpu.memory_space<vmem>>, vector<32x16x128xf32>
    tpu.vector_store %arg3[%swap3A_51, %swap3A_52, %swap3A_53], %get3A_50 {strides = array<i32>} : memref<128x16x128xf32, #tpu.memory_space<vmem>>, vector<32x16x128xf32>,
    %get3A_55 = arith.constant 0 : index
    %get3A_56 = arith.constant 0 : index
    %get3A_57 = arith.constant 0 : index
    %get3A_58 = vector.load %arg3[%get3A_55, %get3A_56, %get3A_57] : memref<128x16x128xf32, #tpu.memory_space<vmem>>, vector<64x16x128xf32>
    %swap3A_59 = arith.constant 64 : index
    %swap3A_60 = arith.constant 0 : index
    %swap3A_61 = arith.constant 0 : index
    %swap3A_62 = vector.load %arg3[%swap3A_59, %swap3A_60, %swap3A_61] : memref<128x16x128xf32, #tpu.memory_space<vmem>>, vector<64x16x128xf32>
    tpu.vector_store %arg3[%swap3A_59, %swap3A_60, %swap3A_61], %get3A_58 {strides = array<i32>} : memref<128x16x128xf32, #tpu.memory_space<vmem>>, vector<64x16x128xf32>,
    %dma_start3A = arith.constant 0 : i32
    %dma_start3A_63 = arith.constant 0 : i32
    %dma_start3A_64 = arith.constant 0 : i32
    %dma_start3A_65 = tpu.memref_slice %arg2[%dma_start3A, %dma_start3A_63, %dma_start3A_64] : memref<8192x24x128xf32, #tpu.memory_space<hbm>> -> memref<128x16x128xf32, #tpu.memory_space<hbm>>
    tpu.enqueue_dma source(%arg3 : memref<128x16x128xf32, #tpu.memory_space<vmem>>) target(%dma_start3A_65 : memref<128x16x128xf32, #tpu.memory_space<hbm>>) target_semaphore(%arg4 : memref<!tpu.dma_semaphore, #tpu.memory_space<semaphore_mem>>)
    %dma_start3A_66 = arith.constant 128 : i32
    %dma_start3A_67 = arith.constant 0 : i32
    %dma_start3A_68 = arith.constant 0 : i32
    %dma_start3A_69 = tpu.memref_slice %arg2[%dma_start3A_66, %dma_start3A_67, %dma_start3A_68] : memref<8192x24x128xf32, #tpu.memory_space<hbm>> -> memref<128x16x128xf32, #tpu.memory_space<hbm>>
    tpu.enqueue_dma source(%arg3 : memref<128x16x128xf32, #tpu.memory_space<vmem>>) target(%dma_start3A_69 : memref<128x16x128xf32, #tpu.memory_space<hbm>>) target_semaphore(%arg4 : memref<!tpu.dma_semaphore, #tpu.memory_space<semaphore_mem>>)
    %dma_start3A_70 = arith.constant 256 : i32
    %dma_start3A_71 = arith.constant 0 : i32
    %dma_start3A_72 = arith.constant 0 : i32
    %dma_start3A_73 = tpu.memref_slice %arg2[%dma_start3A_70, %dma_start3A_71, %dma_start3A_72] : memref<8192x24x128xf32, #tpu.memory_space<hbm>> -> memref<128x16x128xf32, #tpu.memory_space<hbm>>
    tpu.enqueue_dma source(%arg3 : memref<128x16x128xf32, #tpu.memory_space<vmem>>) target(%dma_start3A_73 : memref<128x16x128xf32, #tpu.memory_space<hbm>>) target_semaphore(%arg4 : memref<!tpu.dma_semaphore, #tpu.memory_space<semaphore_mem>>)
    %dma_start3A_74 = arith.constant 384 : i32
    %dma_start3A_75 = arith.constant 0 : i32
    %dma_start3A_76 = arith.constant 0 : i32
    %dma_start3A_77 = tpu.memref_slice %arg2[%dma_start3A_74, %dma_start3A_75, %dma_start3A_76] : memref<8192x24x128xf32, #tpu.memory_space<hbm>> -> memref<128x16x128xf32, #tpu.memory_space<hbm>>
    tpu.enqueue_dma source(%arg3 : memref<128x16x128xf32, #tpu.memory_space<vmem>>) target(%dma_start3A_77 : memref<128x16x128xf32, #tpu.memory_space<hbm>>) target_semaphore(%arg4 : memref<!tpu.dma_semaphore, #tpu.memory_space<semaphore_mem>>)
    %dma_start3A_78 = arith.constant 512 : i32
    %dma_start3A_79 = arith.constant 0 : i32
    %dma_start3A_80 = arith.constant 0 : i32
    %dma_start3A_81 = tpu.memref_slice %arg2[%dma_start3A_78, %dma_start3A_79, %dma_start3A_80] : memref<8192x24x128xf32, #tpu.memory_space<hbm>> -> memref<128x16x128xf32, #tpu.memory_space<hbm>>
    tpu.enqueue_dma source(%arg3 : memref<128x16x128xf32, #tpu.memory_space<vmem>>) target(%dma_start3A_81 : memref<128x16x128xf32, #tpu.memory_space<hbm>>) target_semaphore(%arg4 : memref<!tpu.dma_semaphore, #tpu.memory_space<semaphore_mem>>)
    %dma_start3A_82 = arith.constant 640 : i32
    %dma_start3A_83 = arith.constant 0 : i32
    %dma_start3A_84 = arith.constant 0 : i32
    %dma_start3A_85 = tpu.memref_slice %arg2[%dma_start3A_82, %dma_start3A_83, %dma_start3A_84] : memref<8192x24x128xf32, #tpu.memory_space<hbm>> -> memref<128x16x128xf32, #tpu.memory_space<hbm>>
    tpu.enqueue_dma source(%arg3 : memref<128x16x128xf32, #tpu.memory_space<vmem>>) target(%dma_start3A_85 : memref<128x16x128xf32, #tpu.memory_space<hbm>>) target_semaphore(%arg4 : memref<!tpu.dma_semaphore, #tpu.memory_space<semaphore_mem>>)
    %dma_start3A_86 = arith.constant 768 : i32
    %dma_start3A_87 = arith.constant 0 : i32
    %dma_start3A_88 = arith.constant 0 : i32
    %dma_start3A_89 = tpu.memref_slice %arg2[%dma_start3A_86, %dma_start3A_87, %dma_start3A_88] : memref<8192x24x128xf32, #tpu.memory_space<hbm>> -> memref<128x16x128xf32, #tpu.memory_space<hbm>>
    tpu.enqueue_dma source(%arg3 : memref<128x16x128xf32, #tpu.memory_space<vmem>>) target(%dma_start3A_89 : memref<128x16x128xf32, #tpu.memory_space<hbm>>) target_semaphore(%arg4 : memref<!tpu.dma_semaphore, #tpu.memory_space<semaphore_mem>>)
    %dma_start3A_90 = arith.constant 896 : i32
    %dma_start3A_91 = arith.constant 0 : i32
    %dma_start3A_92 = arith.constant 0 : i32
    %dma_start3A_93 = tpu.memref_slice %arg2[%dma_start3A_90, %dma_start3A_91, %dma_start3A_92] : memref<8192x24x128xf32, #tpu.memory_space<hbm>> -> memref<128x16x128xf32, #tpu.memory_space<hbm>>
    tpu.enqueue_dma source(%arg3 : memref<128x16x128xf32, #tpu.memory_space<vmem>>) target(%dma_start3A_93 : memref<128x16x128xf32, #tpu.memory_space<hbm>>) target_semaphore(%arg4 : memref<!tpu.dma_semaphore, #tpu.memory_space<semaphore_mem>>)
    %dma_start3A_94 = arith.constant 1024 : i32
    %dma_start3A_95 = arith.constant 0 : i32
    %dma_start3A_96 = arith.constant 0 : i32
    %dma_start3A_97 = tpu.memref_slice %arg2[%dma_start3A_94, %dma_start3A_95, %dma_start3A_96] : memref<8192x24x128xf32, #tpu.memory_space<hbm>> -> memref<128x16x128xf32, #tpu.memory_space<hbm>>
    tpu.enqueue_dma source(%arg3 : memref<128x16x128xf32, #tpu.memory_space<vmem>>) target(%dma_start3A_97 : memref<128x16x128xf32, #tpu.memory_space<hbm>>) target_semaphore(%arg4 : memref<!tpu.dma_semaphore, #tpu.memory_space<semaphore_mem>>)
    %dma_start3A_98 = arith.constant 1152 : i32
    %dma_start3A_99 = arith.constant 0 : i32
    %dma_start3A_100 = arith.constant 0 : i32
    %dma_start3A_101 = tpu.memref_slice %arg2[%dma_start3A_98, %dma_start3A_99, %dma_start3A_100] : memref<8192x24x128xf32, #tpu.memory_space<hbm>> -> memref<128x16x128xf32, #tpu.memory_space<hbm>>
    tpu.enqueue_dma source(%arg3 : memref<128x16x128xf32, #tpu.memory_space<vmem>>) target(%dma_start3A_101 : memref<128x16x128xf32, #tpu.memory_space<hbm>>) target_semaphore(%arg4 : memref<!tpu.dma_semaphore, #tpu.memory_space<semaphore_mem>>)
    %dma_start3A_102 = arith.constant 1280 : i32
    %dma_start3A_103 = arith.constant 0 : i32
    %dma_start3A_104 = arith.constant 0 : i32
    %dma_start3A_105 = tpu.memref_slice %arg2[%dma_start3A_102, %dma_start3A_103, %dma_start3A_104] : memref<8192x24x128xf32, #tpu.memory_space<hbm>> -> memref<128x16x128xf32, #tpu.memory_space<hbm>>
    tpu.enqueue_dma source(%arg3 : memref<128x16x128xf32, #tpu.memory_space<vmem>>) target(%dma_start3A_105 : memref<128x16x128xf32, #tpu.memory_space<hbm>>) target_semaphore(%arg4 : memref<!tpu.dma_semaphore, #tpu.memory_space<semaphore_mem>>)
    %dma_start3A_106 = arith.constant 1408 : i32
    %dma_start3A_107 = arith.constant 0 : i32
    %dma_start3A_108 = arith.constant 0 : i32
    %dma_start3A_109 = tpu.memref_slice %arg2[%dma_start3A_106, %dma_start3A_107, %dma_start3A_108] : memref<8192x24x128xf32, #tpu.memory_space<hbm>> -> memref<128x16x128xf32, #tpu.memory_space<hbm>>
    tpu.enqueue_dma source(%arg3 : memref<128x16x128xf32, #tpu.memory_space<vmem>>) target(%dma_start3A_109 : memref<128x16x128xf32, #tpu.memory_space<hbm>>) target_semaphore(%arg4 : memref<!tpu.dma_semaphore, #tpu.memory_space<semaphore_mem>>)
    %dma_start3A_110 = arith.constant 1536 : i32
    %dma_start3A_111 = arith.constant 0 : i32
    %dma_start3A_112 = arith.constant 0 : i32
    %dma_start3A_113 = tpu.memref_slice %arg2[%dma_start3A_110, %dma_start3A_111, %dma_start3A_112] : memref<8192x24x128xf32, #tpu.memory_space<hbm>> -> memref<128x16x128xf32, #tpu.memory_space<hbm>>
    tpu.enqueue_dma source(%arg3 : memref<128x16x128xf32, #tpu.memory_space<vmem>>) target(%dma_start3A_113 : memref<128x16x128xf32, #tpu.memory_space<hbm>>) target_semaphore(%arg4 : memref<!tpu.dma_semaphore, #tpu.memory_space<semaphore_mem>>)
    %dma_start3A_114 = arith.constant 1664 : i32
    %dma_start3A_115 = arith.constant 0 : i32
    %dma_start3A_116 = arith.constant 0 : i32
    %dma_start3A_117 = tpu.memref_slice %arg2[%dma_start3A_114, %dma_start3A_115, %dma_start3A_116] : memref<8192x24x128xf32, #tpu.memory_space<hbm>> -> memref<128x16x128xf32, #tpu.memory_space<hbm>>
    tpu.enqueue_dma source(%arg3 : memref<128x16x128xf32, #tpu.memory_space<vmem>>) target(%dma_start3A_117 : memref<128x16x128xf32, #tpu.memory_space<hbm>>) target_semaphore(%arg4 : memref<!tpu.dma_semaphore, #tpu.memory_space<semaphore_mem>>)
    %dma_start3A_118 = arith.constant 1792 : i32
    %dma_start3A_119 = arith.constant 0 : i32
    %dma_start3A_120 = arith.constant 0 : i32
    %dma_start3A_121 = tpu.memref_slice %arg2[%dma_start3A_118, %dma_start3A_119, %dma_start3A_120] : memref<8192x24x128xf32, #tpu.memory_space<hbm>> -> memref<128x16x128xf32, #tpu.memory_space<hbm>>
    tpu.enqueue_dma source(%arg3 : memref<128x16x128xf32, #tpu.memory_space<vmem>>) target(%dma_start3A_121 : memref<128x16x128xf32, #tpu.memory_space<hbm>>) target_semaphore(%arg4 : memref<!tpu.dma_semaphore, #tpu.memory_space<semaphore_mem>>)
    %dma_start3A_122 = arith.constant 1920 : i32
    %dma_start3A_123 = arith.constant 0 : i32
    %dma_start3A_124 = arith.constant 0 : i32
    %dma_start3A_125 = tpu.memref_slice %arg2[%dma_start3A_122, %dma_start3A_123, %dma_start3A_124] : memref<8192x24x128xf32, #tpu.memory_space<hbm>> -> memref<128x16x128xf32, #tpu.memory_space<hbm>>
    tpu.enqueue_dma source(%arg3 : memref<128x16x128xf32, #tpu.memory_space<vmem>>) target(%dma_start3A_125 : memref<128x16x128xf32, #tpu.memory_space<hbm>>) target_semaphore(%arg4 : memref<!tpu.dma_semaphore, #tpu.memory_space<semaphore_mem>>)
    %dma_start3A_126 = arith.constant 2048 : i32
    %dma_start3A_127 = arith.constant 0 : i32
    %dma_start3A_128 = arith.constant 0 : i32
    %dma_start3A_129 = tpu.memref_slice %arg2[%dma_start3A_126, %dma_start3A_127, %dma_start3A_128] : memref<8192x24x128xf32, #tpu.memory_space<hbm>> -> memref<128x16x128xf32, #tpu.memory_space<hbm>>
    tpu.enqueue_dma source(%arg3 : memref<128x16x128xf32, #tpu.memory_space<vmem>>) target(%dma_start3A_129 : memref<128x16x128xf32, #tpu.memory_space<hbm>>) target_semaphore(%arg4 : memref<!tpu.dma_semaphore, #tpu.memory_space<semaphore_mem>>)
    %dma_start3A_130 = arith.constant 2176 : i32
    %dma_start3A_131 = arith.constant 0 : i32
    %dma_start3A_132 = arith.constant 0 : i32
    %dma_start3A_133 = tpu.memref_slice %arg2[%dma_start3A_130, %dma_start3A_131, %dma_start3A_132] : memref<8192x24x128xf32, #tpu.memory_space<hbm>> -> memref<128x16x128xf32, #tpu.memory_space<hbm>>
    tpu.enqueue_dma source(%arg3 : memref<128x16x128xf32, #tpu.memory_space<vmem>>) target(%dma_start3A_133 : memref<128x16x128xf32, #tpu.memory_space<hbm>>) target_semaphore(%arg4 : memref<!tpu.dma_semaphore, #tpu.memory_space<semaphore_mem>>)
    %dma_start3A_134 = arith.constant 2304 : i32
    %dma_start3A_135 = arith.constant 0 : i32
    %dma_start3A_136 = arith.constant 0 : i32
    %dma_start3A_137 = tpu.memref_slice %arg2[%dma_start3A_134, %dma_start3A_135, %dma_start3A_136] : memref<8192x24x128xf32, #tpu.memory_space<hbm>> -> memref<128x16x128xf32, #tpu.memory_space<hbm>>
    tpu.enqueue_dma source(%arg3 : memref<128x16x128xf32, #tpu.memory_space<vmem>>) target(%dma_start3A_137 : memref<128x16x128xf32, #tpu.memory_space<hbm>>) target_semaphore(%arg4 : memref<!tpu.dma_semaphore, #tpu.memory_space<semaphore_mem>>)
    %dma_start3A_138 = arith.constant 2432 : i32
    %dma_start3A_139 = arith.constant 0 : i32
    %dma_start3A_140 = arith.constant 0 : i32
    %dma_start3A_141 = tpu.memref_slice %arg2[%dma_start3A_138, %dma_start3A_139, %dma_start3A_140] : memref<8192x24x128xf32, #tpu.memory_space<hbm>> -> memref<128x16x128xf32, #tpu.memory_space<hbm>>
    tpu.enqueue_dma source(%arg3 : memref<128x16x128xf32, #tpu.memory_space<vmem>>) target(%dma_start3A_141 : memref<128x16x128xf32, #tpu.memory_space<hbm>>) target_semaphore(%arg4 : memref<!tpu.dma_semaphore, #tpu.memory_space<semaphore_mem>>)
    %dma_start3A_142 = arith.constant 2560 : i32
    %dma_start3A_143 = arith.constant 0 : i32
    %dma_start3A_144 = arith.constant 0 : i32
    %dma_start3A_145 = tpu.memref_slice %arg2[%dma_start3A_142, %dma_start3A_143, %dma_start3A_144] : memref<8192x24x128xf32, #tpu.memory_space<hbm>> -> memref<128x16x128xf32, #tpu.memory_space<hbm>>
    tpu.enqueue_dma source(%arg3 : memref<128x16x128xf32, #tpu.memory_space<vmem>>) target(%dma_start3A_145 : memref<128x16x128xf32, #tpu.memory_space<hbm>>) target_semaphore(%arg4 : memref<!tpu.dma_semaphore, #tpu.memory_space<semaphore_mem>>)
    %dma_start3A_146 = arith.constant 2688 : i32
    %dma_start3A_147 = arith.constant 0 : i32
    %dma_start3A_148 = arith.constant 0 : i32
    %dma_start3A_149 = tpu.memref_slice %arg2[%dma_start3A_146, %dma_start3A_147, %dma_start3A_148] : memref<8192x24x128xf32, #tpu.memory_space<hbm>> -> memref<128x16x128xf32, #tpu.memory_space<hbm>>
    tpu.enqueue_dma source(%arg3 : memref<128x16x128xf32, #tpu.memory_space<vmem>>) target(%dma_start3A_149 : memref<128x16x128xf32, #tpu.memory_space<hbm>>) target_semaphore(%arg4 : memref<!tpu.dma_semaphore, #tpu.memory_space<semaphore_mem>>)
    %dma_start3A_150 = arith.constant 2816 : i32
    %dma_start3A_151 = arith.constant 0 : i32
    %dma_start3A_152 = arith.constant 0 : i32
    %dma_start3A_153 = tpu.memref_slice %arg2[%dma_start3A_150, %dma_start3A_151, %dma_start3A_152] : memref<8192x24x128xf32, #tpu.memory_space<hbm>> -> memref<128x16x128xf32, #tpu.memory_space<hbm>>
    tpu.enqueue_dma source(%arg3 : memref<128x16x128xf32, #tpu.memory_space<vmem>>) target(%dma_start3A_153 : memref<128x16x128xf32, #tpu.memory_space<hbm>>) target_semaphore(%arg4 : memref<!tpu.dma_semaphore, #tpu.memory_space<semaphore_mem>>)
    %dma_start3A_154 = arith.constant 2944 : i32
    %dma_start3A_155 = arith.constant 0 : i32
    %dma_start3A_156 = arith.constant 0 : i32
    %dma_start3A_157 = tpu.memref_slice %arg2[%dma_start3A_154, %dma_start3A_155, %dma_start3A_156] : memref<8192x24x128xf32, #tpu.memory_space<hbm>> -> memref<128x16x128xf32, #tpu.memory_space<hbm>>
    tpu.enqueue_dma source(%arg3 : memref<128x16x128xf32, #tpu.memory_space<vmem>>) target(%dma_start3A_157 : memref<128x16x128xf32, #tpu.memory_space<hbm>>) target_semaphore(%arg4 : memref<!tpu.dma_semaphore, #tpu.memory_space<semaphore_mem>>)
    %dma_start3A_158 = arith.constant 3072 : i32
    %dma_start3A_159 = arith.constant 0 : i32
    %dma_start3A_160 = arith.constant 0 : i32
    %dma_start3A_161 = tpu.memref_slice %arg2[%dma_start3A_158, %dma_start3A_159, %dma_start3A_160] : memref<8192x24x128xf32, #tpu.memory_space<hbm>> -> memref<128x16x128xf32, #tpu.memory_space<hbm>>
    tpu.enqueue_dma source(%arg3 : memref<128x16x128xf32, #tpu.memory_space<vmem>>) target(%dma_start3A_161 : memref<128x16x128xf32, #tpu.memory_space<hbm>>) target_semaphore(%arg4 : memref<!tpu.dma_semaphore, #tpu.memory_space<semaphore_mem>>)
    %dma_start3A_162 = arith.constant 3200 : i32
    %dma_start3A_163 = arith.constant 0 : i32
    %dma_start3A_164 = arith.constant 0 : i32
    %dma_start3A_165 = tpu.memref_slice %arg2[%dma_start3A_162, %dma_start3A_163, %dma_start3A_164] : memref<8192x24x128xf32, #tpu.memory_space<hbm>> -> memref<128x16x128xf32, #tpu.memory_space<hbm>>
    tpu.enqueue_dma source(%arg3 : memref<128x16x128xf32, #tpu.memory_space<vmem>>) target(%dma_start3A_165 : memref<128x16x128xf32, #tpu.memory_space<hbm>>) target_semaphore(%arg4 : memref<!tpu.dma_semaphore, #tpu.memory_space<semaphore_mem>>)
    %dma_start3A_166 = arith.constant 3328 : i32
    %dma_start3A_167 = arith.constant 0 : i32
    %dma_start3A_168 = arith.constant 0 : i32
    %dma_start3A_169 = tpu.memref_slice %arg2[%dma_start3A_166, %dma_start3A_167, %dma_start3A_168] : memref<8192x24x128xf32, #tpu.memory_space<hbm>> -> memref<128x16x128xf32, #tpu.memory_space<hbm>>
    tpu.enqueue_dma source(%arg3 : memref<128x16x128xf32, #tpu.memory_space<vmem>>) target(%dma_start3A_169 : memref<128x16x128xf32, #tpu.memory_space<hbm>>) target_semaphore(%arg4 : memref<!tpu.dma_semaphore, #tpu.memory_space<semaphore_mem>>)
    %dma_start3A_170 = arith.constant 3456 : i32
    %dma_start3A_171 = arith.constant 0 : i32
    %dma_start3A_172 = arith.constant 0 : i32
    %dma_start3A_173 = tpu.memref_slice %arg2[%dma_start3A_170, %dma_start3A_171, %dma_start3A_172] : memref<8192x24x128xf32, #tpu.memory_space<hbm>> -> memref<128x16x128xf32, #tpu.memory_space<hbm>>
    tpu.enqueue_dma source(%arg3 : memref<128x16x128xf32, #tpu.memory_space<vmem>>) target(%dma_start3A_173 : memref<128x16x128xf32, #tpu.memory_space<hbm>>) target_semaphore(%arg4 : memref<!tpu.dma_semaphore, #tpu.memory_space<semaphore_mem>>)
    %dma_start3A_174 = arith.constant 3584 : i32
    %dma_start3A_175 = arith.constant 0 : i32
    %dma_start3A_176 = arith.constant 0 : i32
    %dma_start3A_177 = tpu.memref_slice %arg2[%dma_start3A_174, %dma_start3A_175, %dma_start3A_176] : memref<8192x24x128xf32, #tpu.memory_space<hbm>> -> memref<128x16x128xf32, #tpu.memory_space<hbm>>
    tpu.enqueue_dma source(%arg3 : memref<128x16x128xf32, #tpu.memory_space<vmem>>) target(%dma_start3A_177 : memref<128x16x128xf32, #tpu.memory_space<hbm>>) target_semaphore(%arg4 : memref<!tpu.dma_semaphore, #tpu.memory_space<semaphore_mem>>)
    %dma_start3A_178 = arith.constant 3712 : i32
    %dma_start3A_179 = arith.constant 0 : i32
    %dma_start3A_180 = arith.constant 0 : i32
    %dma_start3A_181 = tpu.memref_slice %arg2[%dma_start3A_178, %dma_start3A_179, %dma_start3A_180] : memref<8192x24x128xf32, #tpu.memory_space<hbm>> -> memref<128x16x128xf32, #tpu.memory_space<hbm>>
    tpu.enqueue_dma source(%arg3 : memref<128x16x128xf32, #tpu.memory_space<vmem>>) target(%dma_start3A_181 : memref<128x16x128xf32, #tpu.memory_space<hbm>>) target_semaphore(%arg4 : memref<!tpu.dma_semaphore, #tpu.memory_space<semaphore_mem>>)
    %dma_start3A_182 = arith.constant 3840 : i32
    %dma_start3A_183 = arith.constant 0 : i32
    %dma_start3A_184 = arith.constant 0 : i32
    %dma_start3A_185 = tpu.memref_slice %arg2[%dma_start3A_182, %dma_start3A_183, %dma_start3A_184] : memref<8192x24x128xf32, #tpu.memory_space<hbm>> -> memref<128x16x128xf32, #tpu.memory_space<hbm>>
    tpu.enqueue_dma source(%arg3 : memref<128x16x128xf32, #tpu.memory_space<vmem>>) target(%dma_start3A_185 : memref<128x16x128xf32, #tpu.memory_space<hbm>>) target_semaphore(%arg4 : memref<!tpu.dma_semaphore, #tpu.memory_space<semaphore_mem>>)
    %dma_start3A_186 = arith.constant 3968 : i32
    %dma_start3A_187 = arith.constant 0 : i32
    %dma_start3A_188 = arith.constant 0 : i32
    %dma_start3A_189 = tpu.memref_slice %arg2[%dma_start3A_186, %dma_start3A_187, %dma_start3A_188] : memref<8192x24x128xf32, #tpu.memory_space<hbm>> -> memref<128x16x128xf32, #tpu.memory_space<hbm>>
    tpu.enqueue_dma source(%arg3 : memref<128x16x128xf32, #tpu.memory_space<vmem>>) target(%dma_start3A_189 : memref<128x16x128xf32, #tpu.memory_space<hbm>>) target_semaphore(%arg4 : memref<!tpu.dma_semaphore, #tpu.memory_space<semaphore_mem>>)
    %dma_start3A_190 = arith.constant 4096 : i32
    %dma_start3A_191 = arith.constant 0 : i32
    %dma_start3A_192 = arith.constant 0 : i32
    %dma_start3A_193 = tpu.memref_slice %arg2[%dma_start3A_190, %dma_start3A_191, %dma_start3A_192] : memref<8192x24x128xf32, #tpu.memory_space<hbm>> -> memref<128x16x128xf32, #tpu.memory_space<hbm>>
    tpu.enqueue_dma source(%arg3 : memref<128x16x128xf32, #tpu.memory_space<vmem>>) target(%dma_start3A_193 : memref<128x16x128xf32, #tpu.memory_space<hbm>>) target_semaphore(%arg4 : memref<!tpu.dma_semaphore, #tpu.memory_space<semaphore_mem>>)
    %dma_start3A_194 = arith.constant 4224 : i32
    %dma_start3A_195 = arith.constant 0 : i32
    %dma_start3A_196 = arith.constant 0 : i32
    %dma_start3A_197 = tpu.memref_slice %arg2[%dma_start3A_194, %dma_start3A_195, %dma_start3A_196] : memref<8192x24x128xf32, #tpu.memory_space<hbm>> -> memref<128x16x128xf32, #tpu.memory_space<hbm>>
    tpu.enqueue_dma source(%arg3 : memref<128x16x128xf32, #tpu.memory_space<vmem>>) target(%dma_start3A_197 : memref<128x16x128xf32, #tpu.memory_space<hbm>>) target_semaphore(%arg4 : memref<!tpu.dma_semaphore, #tpu.memory_space<semaphore_mem>>)
    %dma_start3A_198 = arith.constant 4352 : i32
    %dma_start3A_199 = arith.constant 0 : i32
    %dma_start3A_200 = arith.constant 0 : i32
    %dma_start3A_201 = tpu.memref_slice %arg2[%dma_start3A_198, %dma_start3A_199, %dma_start3A_200] : memref<8192x24x128xf32, #tpu.memory_space<hbm>> -> memref<128x16x128xf32, #tpu.memory_space<hbm>>
    tpu.enqueue_dma source(%arg3 : memref<128x16x128xf32, #tpu.memory_space<vmem>>) target(%dma_start3A_201 : memref<128x16x128xf32, #tpu.memory_space<hbm>>) target_semaphore(%arg4 : memref<!tpu.dma_semaphore, #tpu.memory_space<semaphore_mem>>)
    %dma_start3A_202 = arith.constant 4480 : i32
    %dma_start3A_203 = arith.constant 0 : i32
    %dma_start3A_204 = arith.constant 0 : i32
    %dma_start3A_205 = tpu.memref_slice %arg2[%dma_start3A_202, %dma_start3A_203, %dma_start3A_204] : memref<8192x24x128xf32, #tpu.memory_space<hbm>> -> memref<128x16x128xf32, #tpu.memory_space<hbm>>
    tpu.enqueue_dma source(%arg3 : memref<128x16x128xf32, #tpu.memory_space<vmem>>) target(%dma_start3A_205 : memref<128x16x128xf32, #tpu.memory_space<hbm>>) target_semaphore(%arg4 : memref<!tpu.dma_semaphore, #tpu.memory_space<semaphore_mem>>)
    %dma_start3A_206 = arith.constant 4608 : i32
    %dma_start3A_207 = arith.constant 0 : i32
    %dma_start3A_208 = arith.constant 0 : i32
    %dma_start3A_209 = tpu.memref_slice %arg2[%dma_start3A_206, %dma_start3A_207, %dma_start3A_208] : memref<8192x24x128xf32, #tpu.memory_space<hbm>> -> memref<128x16x128xf32, #tpu.memory_space<hbm>>
    tpu.enqueue_dma source(%arg3 : memref<128x16x128xf32, #tpu.memory_space<vmem>>) target(%dma_start3A_209 : memref<128x16x128xf32, #tpu.memory_space<hbm>>) target_semaphore(%arg4 : memref<!tpu.dma_semaphore, #tpu.memory_space<semaphore_mem>>)
    %dma_start3A_210 = arith.constant 4736 : i32
    %dma_start3A_211 = arith.constant 0 : i32
    %dma_start3A_212 = arith.constant 0 : i32
    %dma_start3A_213 = tpu.memref_slice %arg2[%dma_start3A_210, %dma_start3A_211, %dma_start3A_212] : memref<8192x24x128xf32, #tpu.memory_space<hbm>> -> memref<128x16x128xf32, #tpu.memory_space<hbm>>
    tpu.enqueue_dma source(%arg3 : memref<128x16x128xf32, #tpu.memory_space<vmem>>) target(%dma_start3A_213 : memref<128x16x128xf32, #tpu.memory_space<hbm>>) target_semaphore(%arg4 : memref<!tpu.dma_semaphore, #tpu.memory_space<semaphore_mem>>)
    %dma_start3A_214 = arith.constant 4864 : i32
    %dma_start3A_215 = arith.constant 0 : i32
    %dma_start3A_216 = arith.constant 0 : i32
    %dma_start3A_217 = tpu.memref_slice %arg2[%dma_start3A_214, %dma_start3A_215, %dma_start3A_216] : memref<8192x24x128xf32, #tpu.memory_space<hbm>> -> memref<128x16x128xf32, #tpu.memory_space<hbm>>
    tpu.enqueue_dma source(%arg3 : memref<128x16x128xf32, #tpu.memory_space<vmem>>) target(%dma_start3A_217 : memref<128x16x128xf32, #tpu.memory_space<hbm>>) target_semaphore(%arg4 : memref<!tpu.dma_semaphore, #tpu.memory_space<semaphore_mem>>)
    %dma_start3A_218 = arith.constant 4992 : i32
    %dma_start3A_219 = arith.constant 0 : i32
    %dma_start3A_220 = arith.constant 0 : i32
    %dma_start3A_221 = tpu.memref_slice %arg2[%dma_start3A_218, %dma_start3A_219, %dma_start3A_220] : memref<8192x24x128xf32, #tpu.memory_space<hbm>> -> memref<128x16x128xf32, #tpu.memory_space<hbm>>
    tpu.enqueue_dma source(%arg3 : memref<128x16x128xf32, #tpu.memory_space<vmem>>) target(%dma_start3A_221 : memref<128x16x128xf32, #tpu.memory_space<hbm>>) target_semaphore(%arg4 : memref<!tpu.dma_semaphore, #tpu.memory_space<semaphore_mem>>)
    %dma_start3A_222 = arith.constant 5120 : i32
    %dma_start3A_223 = arith.constant 0 : i32
    %dma_start3A_224 = arith.constant 0 : i32
    %dma_start3A_225 = tpu.memref_slice %arg2[%dma_start3A_222, %dma_start3A_223, %dma_start3A_224] : memref<8192x24x128xf32, #tpu.memory_space<hbm>> -> memref<128x16x128xf32, #tpu.memory_space<hbm>>
    tpu.enqueue_dma source(%arg3 : memref<128x16x128xf32, #tpu.memory_space<vmem>>) target(%dma_start3A_225 : memref<128x16x128xf32, #tpu.memory_space<hbm>>) target_semaphore(%arg4 : memref<!tpu.dma_semaphore, #tpu.memory_space<semaphore_mem>>)
    %dma_start3A_226 = arith.constant 5248 : i32
    %dma_start3A_227 = arith.constant 0 : i32
    %dma_start3A_228 = arith.constant 0 : i32
    %dma_start3A_229 = tpu.memref_slice %arg2[%dma_start3A_226, %dma_start3A_227, %dma_start3A_228] : memref<8192x24x128xf32, #tpu.memory_space<hbm>> -> memref<128x16x128xf32, #tpu.memory_space<hbm>>
    tpu.enqueue_dma source(%arg3 : memref<128x16x128xf32, #tpu.memory_space<vmem>>) target(%dma_start3A_229 : memref<128x16x128xf32, #tpu.memory_space<hbm>>) target_semaphore(%arg4 : memref<!tpu.dma_semaphore, #tpu.memory_space<semaphore_mem>>)
    %dma_start3A_230 = arith.constant 5376 : i32
    %dma_start3A_231 = arith.constant 0 : i32
    %dma_start3A_232 = arith.constant 0 : i32
    %dma_start3A_233 = tpu.memref_slice %arg2[%dma_start3A_230, %dma_start3A_231, %dma_start3A_232] : memref<8192x24x128xf32, #tpu.memory_space<hbm>> -> memref<128x16x128xf32, #tpu.memory_space<hbm>>
    tpu.enqueue_dma source(%arg3 : memref<128x16x128xf32, #tpu.memory_space<vmem>>) target(%dma_start3A_233 : memref<128x16x128xf32, #tpu.memory_space<hbm>>) target_semaphore(%arg4 : memref<!tpu.dma_semaphore, #tpu.memory_space<semaphore_mem>>)
    %dma_start3A_234 = arith.constant 5504 : i32
    %dma_start3A_235 = arith.constant 0 : i32
    %dma_start3A_236 = arith.constant 0 : i32
    %dma_start3A_237 = tpu.memref_slice %arg2[%dma_start3A_234, %dma_start3A_235, %dma_start3A_236] : memref<8192x24x128xf32, #tpu.memory_space<hbm>> -> memref<128x16x128xf32, #tpu.memory_space<hbm>>
    tpu.enqueue_dma source(%arg3 : memref<128x16x128xf32, #tpu.memory_space<vmem>>) target(%dma_start3A_237 : memref<128x16x128xf32, #tpu.memory_space<hbm>>) target_semaphore(%arg4 : memref<!tpu.dma_semaphore, #tpu.memory_space<semaphore_mem>>)
    %dma_start3A_238 = arith.constant 5632 : i32
    %dma_start3A_239 = arith.constant 0 : i32
    %dma_start3A_240 = arith.constant 0 : i32
    %dma_start3A_241 = tpu.memref_slice %arg2[%dma_start3A_238, %dma_start3A_239, %dma_start3A_240] : memref<8192x24x128xf32, #tpu.memory_space<hbm>> -> memref<128x16x128xf32, #tpu.memory_space<hbm>>
    tpu.enqueue_dma source(%arg3 : memref<128x16x128xf32, #tpu.memory_space<vmem>>) target(%dma_start3A_241 : memref<128x16x128xf32, #tpu.memory_space<hbm>>) target_semaphore(%arg4 : memref<!tpu.dma_semaphore, #tpu.memory_space<semaphore_mem>>)
    %dma_start3A_242 = arith.constant 5760 : i32
    %dma_start3A_243 = arith.constant 0 : i32
    %dma_start3A_244 = arith.constant 0 : i32
    %dma_start3A_245 = tpu.memref_slice %arg2[%dma_start3A_242, %dma_start3A_243, %dma_start3A_244] : memref<8192x24x128xf32, #tpu.memory_space<hbm>> -> memref<128x16x128xf32, #tpu.memory_space<hbm>>
    tpu.enqueue_dma source(%arg3 : memref<128x16x128xf32, #tpu.memory_space<vmem>>) target(%dma_start3A_245 : memref<128x16x128xf32, #tpu.memory_space<hbm>>) target_semaphore(%arg4 : memref<!tpu.dma_semaphore, #tpu.memory_space<semaphore_mem>>)
    %dma_start3A_246 = arith.constant 5888 : i32
    %dma_start3A_247 = arith.constant 0 : i32
    %dma_start3A_248 = arith.constant 0 : i32
    %dma_start3A_249 = tpu.memref_slice %arg2[%dma_start3A_246, %dma_start3A_247, %dma_start3A_248] : memref<8192x24x128xf32, #tpu.memory_space<hbm>> -> memref<128x16x128xf32, #tpu.memory_space<hbm>>
    tpu.enqueue_dma source(%arg3 : memref<128x16x128xf32, #tpu.memory_space<vmem>>) target(%dma_start3A_249 : memref<128x16x128xf32, #tpu.memory_space<hbm>>) target_semaphore(%arg4 : memref<!tpu.dma_semaphore, #tpu.memory_space<semaphore_mem>>)
    %dma_start3A_250 = arith.constant 6016 : i32
    %dma_start3A_251 = arith.constant 0 : i32
    %dma_start3A_252 = arith.constant 0 : i32
    %dma_start3A_253 = tpu.memref_slice %arg2[%dma_start3A_250, %dma_start3A_251, %dma_start3A_252] : memref<8192x24x128xf32, #tpu.memory_space<hbm>> -> memref<128x16x128xf32, #tpu.memory_space<hbm>>
    tpu.enqueue_dma source(%arg3 : memref<128x16x128xf32, #tpu.memory_space<vmem>>) target(%dma_start3A_253 : memref<128x16x128xf32, #tpu.memory_space<hbm>>) target_semaphore(%arg4 : memref<!tpu.dma_semaphore, #tpu.memory_space<semaphore_mem>>)
    %dma_start3A_254 = arith.constant 6144 : i32
    %dma_start3A_255 = arith.constant 0 : i32
    %dma_start3A_256 = arith.constant 0 : i32
    %dma_start3A_257 = tpu.memref_slice %arg2[%dma_start3A_254, %dma_start3A_255, %dma_start3A_256] : memref<8192x24x128xf32, #tpu.memory_space<hbm>> -> memref<128x16x128xf32, #tpu.memory_space<hbm>>
    tpu.enqueue_dma source(%arg3 : memref<128x16x128xf32, #tpu.memory_space<vmem>>) target(%dma_start3A_257 : memref<128x16x128xf32, #tpu.memory_space<hbm>>) target_semaphore(%arg4 : memref<!tpu.dma_semaphore, #tpu.memory_space<semaphore_mem>>)
    %dma_start3A_258 = arith.constant 6272 : i32
    %dma_start3A_259 = arith.constant 0 : i32
    %dma_start3A_260 = arith.constant 0 : i32
    %dma_start3A_261 = tpu.memref_slice %arg2[%dma_start3A_258, %dma_start3A_259, %dma_start3A_260] : memref<8192x24x128xf32, #tpu.memory_space<hbm>> -> memref<128x16x128xf32, #tpu.memory_space<hbm>>
    tpu.enqueue_dma source(%arg3 : memref<128x16x128xf32, #tpu.memory_space<vmem>>) target(%dma_start3A_261 : memref<128x16x128xf32, #tpu.memory_space<hbm>>) target_semaphore(%arg4 : memref<!tpu.dma_semaphore, #tpu.memory_space<semaphore_mem>>)
    %dma_start3A_262 = arith.constant 6400 : i32
    %dma_start3A_263 = arith.constant 0 : i32
    %dma_start3A_264 = arith.constant 0 : i32
    %dma_start3A_265 = tpu.memref_slice %arg2[%dma_start3A_262, %dma_start3A_263, %dma_start3A_264] : memref<8192x24x128xf32, #tpu.memory_space<hbm>> -> memref<128x16x128xf32, #tpu.memory_space<hbm>>
    tpu.enqueue_dma source(%arg3 : memref<128x16x128xf32, #tpu.memory_space<vmem>>) target(%dma_start3A_265 : memref<128x16x128xf32, #tpu.memory_space<hbm>>) target_semaphore(%arg4 : memref<!tpu.dma_semaphore, #tpu.memory_space<semaphore_mem>>)
    %dma_start3A_266 = arith.constant 6528 : i32
    %dma_start3A_267 = arith.constant 0 : i32
    %dma_start3A_268 = arith.constant 0 : i32
    %dma_start3A_269 = tpu.memref_slice %arg2[%dma_start3A_266, %dma_start3A_267, %dma_start3A_268] : memref<8192x24x128xf32, #tpu.memory_space<hbm>> -> memref<128x16x128xf32, #tpu.memory_space<hbm>>
    tpu.enqueue_dma source(%arg3 : memref<128x16x128xf32, #tpu.memory_space<vmem>>) target(%dma_start3A_269 : memref<128x16x128xf32, #tpu.memory_space<hbm>>) target_semaphore(%arg4 : memref<!tpu.dma_semaphore, #tpu.memory_space<semaphore_mem>>)
    %dma_start3A_270 = arith.constant 6656 : i32
    %dma_start3A_271 = arith.constant 0 : i32
    %dma_start3A_272 = arith.constant 0 : i32
    %dma_start3A_273 = tpu.memref_slice %arg2[%dma_start3A_270, %dma_start3A_271, %dma_start3A_272] : memref<8192x24x128xf32, #tpu.memory_space<hbm>> -> memref<128x16x128xf32, #tpu.memory_space<hbm>>
    tpu.enqueue_dma source(%arg3 : memref<128x16x128xf32, #tpu.memory_space<vmem>>) target(%dma_start3A_273 : memref<128x16x128xf32, #tpu.memory_space<hbm>>) target_semaphore(%arg4 : memref<!tpu.dma_semaphore, #tpu.memory_space<semaphore_mem>>)
    %dma_start3A_274 = arith.constant 6784 : i32
    %dma_start3A_275 = arith.constant 0 : i32
    %dma_start3A_276 = arith.constant 0 : i32
    %dma_start3A_277 = tpu.memref_slice %arg2[%dma_start3A_274, %dma_start3A_275, %dma_start3A_276] : memref<8192x24x128xf32, #tpu.memory_space<hbm>> -> memref<128x16x128xf32, #tpu.memory_space<hbm>>
    tpu.enqueue_dma source(%arg3 : memref<128x16x128xf32, #tpu.memory_space<vmem>>) target(%dma_start3A_277 : memref<128x16x128xf32, #tpu.memory_space<hbm>>) target_semaphore(%arg4 : memref<!tpu.dma_semaphore, #tpu.memory_space<semaphore_mem>>)
    %dma_start3A_278 = arith.constant 6912 : i32
    %dma_start3A_279 = arith.constant 0 : i32
    %dma_start3A_280 = arith.constant 0 : i32
    %dma_start3A_281 = tpu.memref_slice %arg2[%dma_start3A_278, %dma_start3A_279, %dma_start3A_280] : memref<8192x24x128xf32, #tpu.memory_space<hbm>> -> memref<128x16x128xf32, #tpu.memory_space<hbm>>
    tpu.enqueue_dma source(%arg3 : memref<128x16x128xf32, #tpu.memory_space<vmem>>) target(%dma_start3A_281 : memref<128x16x128xf32, #tpu.memory_space<hbm>>) target_semaphore(%arg4 : memref<!tpu.dma_semaphore, #tpu.memory_space<semaphore_mem>>)
    %dma_start3A_282 = arith.constant 7040 : i32
    %dma_start3A_283 = arith.constant 0 : i32
    %dma_start3A_284 = arith.constant 0 : i32
    %dma_start3A_285 = tpu.memref_slice %arg2[%dma_start3A_282, %dma_start3A_283, %dma_start3A_284] : memref<8192x24x128xf32, #tpu.memory_space<hbm>> -> memref<128x16x128xf32, #tpu.memory_space<hbm>>
    tpu.enqueue_dma source(%arg3 : memref<128x16x128xf32, #tpu.memory_space<vmem>>) target(%dma_start3A_285 : memref<128x16x128xf32, #tpu.memory_space<hbm>>) target_semaphore(%arg4 : memref<!tpu.dma_semaphore, #tpu.memory_space<semaphore_mem>>)
    %dma_start3A_286 = arith.constant 7168 : i32
    %dma_start3A_287 = arith.constant 0 : i32
    %dma_start3A_288 = arith.constant 0 : i32
    %dma_start3A_289 = tpu.memref_slice %arg2[%dma_start3A_286, %dma_start3A_287, %dma_start3A_288] : memref<8192x24x128xf32, #tpu.memory_space<hbm>> -> memref<128x16x128xf32, #tpu.memory_space<hbm>>
    tpu.enqueue_dma source(%arg3 : memref<128x16x128xf32, #tpu.memory_space<vmem>>) target(%dma_start3A_289 : memref<128x16x128xf32, #tpu.memory_space<hbm>>) target_semaphore(%arg4 : memref<!tpu.dma_semaphore, #tpu.memory_space<semaphore_mem>>)
    %dma_start3A_290 = arith.constant 7296 : i32
    %dma_start3A_291 = arith.constant 0 : i32
    %dma_start3A_292 = arith.constant 0 : i32
    %dma_start3A_293 = tpu.memref_slice %arg2[%dma_start3A_290, %dma_start3A_291, %dma_start3A_292] : memref<8192x24x128xf32, #tpu.memory_space<hbm>> -> memref<128x16x128xf32, #tpu.memory_space<hbm>>
    tpu.enqueue_dma source(%arg3 : memref<128x16x128xf32, #tpu.memory_space<vmem>>) target(%dma_start3A_293 : memref<128x16x128xf32, #tpu.memory_space<hbm>>) target_semaphore(%arg4 : memref<!tpu.dma_semaphore, #tpu.memory_space<semaphore_mem>>)
    %dma_start3A_294 = arith.constant 7424 : i32
    %dma_start3A_295 = arith.constant 0 : i32
    %dma_start3A_296 = arith.constant 0 : i32
    %dma_start3A_297 = tpu.memref_slice %arg2[%dma_start3A_294, %dma_start3A_295, %dma_start3A_296] : memref<8192x24x128xf32, #tpu.memory_space<hbm>> -> memref<128x16x128xf32, #tpu.memory_space<hbm>>
    tpu.enqueue_dma source(%arg3 : memref<128x16x128xf32, #tpu.memory_space<vmem>>) target(%dma_start3A_297 : memref<128x16x128xf32, #tpu.memory_space<hbm>>) target_semaphore(%arg4 : memref<!tpu.dma_semaphore, #tpu.memory_space<semaphore_mem>>)
    %dma_start3A_298 = arith.constant 7552 : i32
    %dma_start3A_299 = arith.constant 0 : i32
    %dma_start3A_300 = arith.constant 0 : i32
    %dma_start3A_301 = tpu.memref_slice %arg2[%dma_start3A_298, %dma_start3A_299, %dma_start3A_300] : memref<8192x24x128xf32, #tpu.memory_space<hbm>> -> memref<128x16x128xf32, #tpu.memory_space<hbm>>
    tpu.enqueue_dma source(%arg3 : memref<128x16x128xf32, #tpu.memory_space<vmem>>) target(%dma_start3A_301 : memref<128x16x128xf32, #tpu.memory_space<hbm>>) target_semaphore(%arg4 : memref<!tpu.dma_semaphore, #tpu.memory_space<semaphore_mem>>)
    %dma_start3A_302 = arith.constant 7680 : i32
    %dma_start3A_303 = arith.constant 0 : i32
    %dma_start3A_304 = arith.constant 0 : i32
    %dma_start3A_305 = tpu.memref_slice %arg2[%dma_start3A_302, %dma_start3A_303, %dma_start3A_304] : memref<8192x24x128xf32, #tpu.memory_space<hbm>> -> memref<128x16x128xf32, #tpu.memory_space<hbm>>
    tpu.enqueue_dma source(%arg3 : memref<128x16x128xf32, #tpu.memory_space<vmem>>) target(%dma_start3A_305 : memref<128x16x128xf32, #tpu.memory_space<hbm>>) target_semaphore(%arg4 : memref<!tpu.dma_semaphore, #tpu.memory_space<semaphore_mem>>)
    %dma_start3A_306 = arith.constant 7808 : i32
    %dma_start3A_307 = arith.constant 0 : i32
    %dma_start3A_308 = arith.constant 0 : i32
    %dma_start3A_309 = tpu.memref_slice %arg2[%dma_start3A_306, %dma_start3A_307, %dma_start3A_308] : memref<8192x24x128xf32, #tpu.memory_space<hbm>> -> memref<128x16x128xf32, #tpu.memory_space<hbm>>
    tpu.enqueue_dma source(%arg3 : memref<128x16x128xf32, #tpu.memory_space<vmem>>) target(%dma_start3A_309 : memref<128x16x128xf32, #tpu.memory_space<hbm>>) target_semaphore(%arg4 : memref<!tpu.dma_semaphore, #tpu.memory_space<semaphore_mem>>)
    %dma_start3A_310 = arith.constant 7936 : i32
    %dma_start3A_311 = arith.constant 0 : i32
    %dma_start3A_312 = arith.constant 0 : i32
    %dma_start3A_313 = tpu.memref_slice %arg2[%dma_start3A_310, %dma_start3A_311, %dma_start3A_312] : memref<8192x24x128xf32, #tpu.memory_space<hbm>> -> memref<128x16x128xf32, #tpu.memory_space<hbm>>
    tpu.enqueue_dma source(%arg3 : memref<128x16x128xf32, #tpu.memory_space<vmem>>) target(%dma_start3A_313 : memref<128x16x128xf32, #tpu.memory_space<hbm>>) target_semaphore(%arg4 : memref<!tpu.dma_semaphore, #tpu.memory_space<semaphore_mem>>)
    %dma_start3A_314 = arith.constant 8064 : i32
    %dma_start3A_315 = arith.constant 0 : i32
    %dma_start3A_316 = arith.constant 0 : i32
    %dma_start3A_317 = tpu.memref_slice %arg2[%dma_start3A_314, %dma_start3A_315, %dma_start3A_316] : memref<8192x24x128xf32, #tpu.memory_space<hbm>> -> memref<128x16x128xf32, #tpu.memory_space<hbm>>
    tpu.enqueue_dma source(%arg3 : memref<128x16x128xf32, #tpu.memory_space<vmem>>) target(%dma_start3A_317 : memref<128x16x128xf32, #tpu.memory_space<hbm>>) target_semaphore(%arg4 : memref<!tpu.dma_semaphore, #tpu.memory_space<semaphore_mem>>)
    %dma_wait3A = arith.constant 0 : i32
    %dma_wait3A_318 = arith.constant 0 : i32
    %dma_wait3A_319 = arith.constant 0 : i32
    %dma_wait3A_320 = tpu.memref_slice %arg2[%dma_wait3A, %dma_wait3A_318, %dma_wait3A_319] : memref<8192x24x128xf32, #tpu.memory_space<hbm>> -> memref<128x16x128xf32, #tpu.memory_space<hbm>>
    tpu.wait_dma2 semaphore(%arg4 : memref<!tpu.dma_semaphore, #tpu.memory_space<semaphore_mem>>) src(%arg3 : memref<128x16x128xf32, #tpu.memory_space<vmem>>) dst(%dma_wait3A_320 : memref<128x16x128xf32, #tpu.memory_space<hbm>>)
    %dma_wait3A_321 = arith.constant 128 : i32
    %dma_wait3A_322 = arith.constant 0 : i32
    %dma_wait3A_323 = arith.constant 0 : i32
    %dma_wait3A_324 = tpu.memref_slice %arg2[%dma_wait3A_321, %dma_wait3A_322, %dma_wait3A_323] : memref<8192x24x128xf32, #tpu.memory_space<hbm>> -> memref<128x16x128xf32, #tpu.memory_space<hbm>>
    tpu.wait_dma2 semaphore(%arg4 : memref<!tpu.dma_semaphore, #tpu.memory_space<semaphore_mem>>) src(%arg3 : memref<128x16x128xf32, #tpu.memory_space<vmem>>) dst(%dma_wait3A_324 : memref<128x16x128xf32, #tpu.memory_space<hbm>>)
    %dma_wait3A_325 = arith.constant 256 : i32
    %dma_wait3A_326 = arith.constant 0 : i32
    %dma_wait3A_327 = arith.constant 0 : i32
    %dma_wait3A_328 = tpu.memref_slice %arg2[%dma_wait3A_325, %dma_wait3A_326, %dma_wait3A_327] : memref<8192x24x128xf32, #tpu.memory_space<hbm>> -> memref<128x16x128xf32, #tpu.memory_space<hbm>>
    tpu.wait_dma2 semaphore(%arg4 : memref<!tpu.dma_semaphore, #tpu.memory_space<semaphore_mem>>) src(%arg3 : memref<128x16x128xf32, #tpu.memory_space<vmem>>) dst(%dma_wait3A_328 : memref<128x16x128xf32, #tpu.memory_space<hbm>>)
    %dma_wait3A_329 = arith.constant 384 : i32
    %dma_wait3A_330 = arith.constant 0 : i32
    %dma_wait3A_331 = arith.constant 0 : i32
    %dma_wait3A_332 = tpu.memref_slice %arg2[%dma_wait3A_329, %dma_wait3A_330, %dma_wait3A_331] : memref<8192x24x128xf32, #tpu.memory_space<hbm>> -> memref<128x16x128xf32, #tpu.memory_space<hbm>>
    tpu.wait_dma2 semaphore(%arg4 : memref<!tpu.dma_semaphore, #tpu.memory_space<semaphore_mem>>) src(%arg3 : memref<128x16x128xf32, #tpu.memory_space<vmem>>) dst(%dma_wait3A_332 : memref<128x16x128xf32, #tpu.memory_space<hbm>>)
    %dma_wait3A_333 = arith.constant 512 : i32
    %dma_wait3A_334 = arith.constant 0 : i32
    %dma_wait3A_335 = arith.constant 0 : i32
    %dma_wait3A_336 = tpu.memref_slice %arg2[%dma_wait3A_333, %dma_wait3A_334, %dma_wait3A_335] : memref<8192x24x128xf32, #tpu.memory_space<hbm>> -> memref<128x16x128xf32, #tpu.memory_space<hbm>>
    tpu.wait_dma2 semaphore(%arg4 : memref<!tpu.dma_semaphore, #tpu.memory_space<semaphore_mem>>) src(%arg3 : memref<128x16x128xf32, #tpu.memory_space<vmem>>) dst(%dma_wait3A_336 : memref<128x16x128xf32, #tpu.memory_space<hbm>>)
    %dma_wait3A_337 = arith.constant 640 : i32
    %dma_wait3A_338 = arith.constant 0 : i32
    %dma_wait3A_339 = arith.constant 0 : i32
    %dma_wait3A_340 = tpu.memref_slice %arg2[%dma_wait3A_337, %dma_wait3A_338, %dma_wait3A_339] : memref<8192x24x128xf32, #tpu.memory_space<hbm>> -> memref<128x16x128xf32, #tpu.memory_space<hbm>>
    tpu.wait_dma2 semaphore(%arg4 : memref<!tpu.dma_semaphore, #tpu.memory_space<semaphore_mem>>) src(%arg3 : memref<128x16x128xf32, #tpu.memory_space<vmem>>) dst(%dma_wait3A_340 : memref<128x16x128xf32, #tpu.memory_space<hbm>>)
    %dma_wait3A_341 = arith.constant 768 : i32
    %dma_wait3A_342 = arith.constant 0 : i32
    %dma_wait3A_343 = arith.constant 0 : i32
    %dma_wait3A_344 = tpu.memref_slice %arg2[%dma_wait3A_341, %dma_wait3A_342, %dma_wait3A_343] : memref<8192x24x128xf32, #tpu.memory_space<hbm>> -> memref<128x16x128xf32, #tpu.memory_space<hbm>>
    tpu.wait_dma2 semaphore(%arg4 : memref<!tpu.dma_semaphore, #tpu.memory_space<semaphore_mem>>) src(%arg3 : memref<128x16x128xf32, #tpu.memory_space<vmem>>) dst(%dma_wait3A_344 : memref<128x16x128xf32, #tpu.memory_space<hbm>>)
    %dma_wait3A_345 = arith.constant 896 : i32
    %dma_wait3A_346 = arith.constant 0 : i32
    %dma_wait3A_347 = arith.constant 0 : i32
    %dma_wait3A_348 = tpu.memref_slice %arg2[%dma_wait3A_345, %dma_wait3A_346, %dma_wait3A_347] : memref<8192x24x128xf32, #tpu.memory_space<hbm>> -> memref<128x16x128xf32, #tpu.memory_space<hbm>>
    tpu.wait_dma2 semaphore(%arg4 : memref<!tpu.dma_semaphore, #tpu.memory_space<semaphore_mem>>) src(%arg3 : memref<128x16x128xf32, #tpu.memory_space<vmem>>) dst(%dma_wait3A_348 : memref<128x16x128xf32, #tpu.memory_space<hbm>>)
    %dma_wait3A_349 = arith.constant 1024 : i32
    %dma_wait3A_350 = arith.constant 0 : i32
    %dma_wait3A_351 = arith.constant 0 : i32
    %dma_wait3A_352 = tpu.memref_slice %arg2[%dma_wait3A_349, %dma_wait3A_350, %dma_wait3A_351] : memref<8192x24x128xf32, #tpu.memory_space<hbm>> -> memref<128x16x128xf32, #tpu.memory_space<hbm>>
    tpu.wait_dma2 semaphore(%arg4 : memref<!tpu.dma_semaphore, #tpu.memory_space<semaphore_mem>>) src(%arg3 : memref<128x16x128xf32, #tpu.memory_space<vmem>>) dst(%dma_wait3A_352 : memref<128x16x128xf32, #tpu.memory_space<hbm>>)
    %dma_wait3A_353 = arith.constant 1152 : i32
    %dma_wait3A_354 = arith.constant 0 : i32
    %dma_wait3A_355 = arith.constant 0 : i32
    %dma_wait3A_356 = tpu.memref_slice %arg2[%dma_wait3A_353, %dma_wait3A_354, %dma_wait3A_355] : memref<8192x24x128xf32, #tpu.memory_space<hbm>> -> memref<128x16x128xf32, #tpu.memory_space<hbm>>
    tpu.wait_dma2 semaphore(%arg4 : memref<!tpu.dma_semaphore, #tpu.memory_space<semaphore_mem>>) src(%arg3 : memref<128x16x128xf32, #tpu.memory_space<vmem>>) dst(%dma_wait3A_356 : memref<128x16x128xf32, #tpu.memory_space<hbm>>)
    %dma_wait3A_357 = arith.constant 1280 : i32
    %dma_wait3A_358 = arith.constant 0 : i32
    %dma_wait3A_359 = arith.constant 0 : i32
    %dma_wait3A_360 = tpu.memref_slice %arg2[%dma_wait3A_357, %dma_wait3A_358, %dma_wait3A_359] : memref<8192x24x128xf32, #tpu.memory_space<hbm>> -> memref<128x16x128xf32, #tpu.memory_space<hbm>>
    tpu.wait_dma2 semaphore(%arg4 : memref<!tpu.dma_semaphore, #tpu.memory_space<semaphore_mem>>) src(%arg3 : memref<128x16x128xf32, #tpu.memory_space<vmem>>) dst(%dma_wait3A_360 : memref<128x16x128xf32, #tpu.memory_space<hbm>>)
    %dma_wait3A_361 = arith.constant 1408 : i32
    %dma_wait3A_362 = arith.constant 0 : i32
    %dma_wait3A_363 = arith.constant 0 : i32
    %dma_wait3A_364 = tpu.memref_slice %arg2[%dma_wait3A_361, %dma_wait3A_362, %dma_wait3A_363] : memref<8192x24x128xf32, #tpu.memory_space<hbm>> -> memref<128x16x128xf32, #tpu.memory_space<hbm>>
    tpu.wait_dma2 semaphore(%arg4 : memref<!tpu.dma_semaphore, #tpu.memory_space<semaphore_mem>>) src(%arg3 : memref<128x16x128xf32, #tpu.memory_space<vmem>>) dst(%dma_wait3A_364 : memref<128x16x128xf32, #tpu.memory_space<hbm>>)
    %dma_wait3A_365 = arith.constant 1536 : i32
    %dma_wait3A_366 = arith.constant 0 : i32
    %dma_wait3A_367 = arith.constant 0 : i32
    %dma_wait3A_368 = tpu.memref_slice %arg2[%dma_wait3A_365, %dma_wait3A_366, %dma_wait3A_367] : memref<8192x24x128xf32, #tpu.memory_space<hbm>> -> memref<128x16x128xf32, #tpu.memory_space<hbm>>
    tpu.wait_dma2 semaphore(%arg4 : memref<!tpu.dma_semaphore, #tpu.memory_space<semaphore_mem>>) src(%arg3 : memref<128x16x128xf32, #tpu.memory_space<vmem>>) dst(%dma_wait3A_368 : memref<128x16x128xf32, #tpu.memory_space<hbm>>)
    %dma_wait3A_369 = arith.constant 1664 : i32
    %dma_wait3A_370 = arith.constant 0 : i32
    %dma_wait3A_371 = arith.constant 0 : i32
    %dma_wait3A_372 = tpu.memref_slice %arg2[%dma_wait3A_369, %dma_wait3A_370, %dma_wait3A_371] : memref<8192x24x128xf32, #tpu.memory_space<hbm>> -> memref<128x16x128xf32, #tpu.memory_space<hbm>>
    tpu.wait_dma2 semaphore(%arg4 : memref<!tpu.dma_semaphore, #tpu.memory_space<semaphore_mem>>) src(%arg3 : memref<128x16x128xf32, #tpu.memory_space<vmem>>) dst(%dma_wait3A_372 : memref<128x16x128xf32, #tpu.memory_space<hbm>>)
    %dma_wait3A_373 = arith.constant 1792 : i32
    %dma_wait3A_374 = arith.constant 0 : i32
    %dma_wait3A_375 = arith.constant 0 : i32
    %dma_wait3A_376 = tpu.memref_slice %arg2[%dma_wait3A_373, %dma_wait3A_374, %dma_wait3A_375] : memref<8192x24x128xf32, #tpu.memory_space<hbm>> -> memref<128x16x128xf32, #tpu.memory_space<hbm>>
    tpu.wait_dma2 semaphore(%arg4 : memref<!tpu.dma_semaphore, #tpu.memory_space<semaphore_mem>>) src(%arg3 : memref<128x16x128xf32, #tpu.memory_space<vmem>>) dst(%dma_wait3A_376 : memref<128x16x128xf32, #tpu.memory_space<hbm>>)
    %dma_wait3A_377 = arith.constant 1920 : i32
    %dma_wait3A_378 = arith.constant 0 : i32
    %dma_wait3A_379 = arith.constant 0 : i32
    %dma_wait3A_380 = tpu.memref_slice %arg2[%dma_wait3A_377, %dma_wait3A_378, %dma_wait3A_379] : memref<8192x24x128xf32, #tpu.memory_space<hbm>> -> memref<128x16x128xf32, #tpu.memory_space<hbm>>
    tpu.wait_dma2 semaphore(%arg4 : memref<!tpu.dma_semaphore, #tpu.memory_space<semaphore_mem>>) src(%arg3 : memref<128x16x128xf32, #tpu.memory_space<vmem>>) dst(%dma_wait3A_380 : memref<128x16x128xf32, #tpu.memory_space<hbm>>)
    %dma_wait3A_381 = arith.constant 2048 : i32
    %dma_wait3A_382 = arith.constant 0 : i32
    %dma_wait3A_383 = arith.constant 0 : i32
    %dma_wait3A_384 = tpu.memref_slice %arg2[%dma_wait3A_381, %dma_wait3A_382, %dma_wait3A_383] : memref<8192x24x128xf32, #tpu.memory_space<hbm>> -> memref<128x16x128xf32, #tpu.memory_space<hbm>>
    tpu.wait_dma2 semaphore(%arg4 : memref<!tpu.dma_semaphore, #tpu.memory_space<semaphore_mem>>) src(%arg3 : memref<128x16x128xf32, #tpu.memory_space<vmem>>) dst(%dma_wait3A_384 : memref<128x16x128xf32, #tpu.memory_space<hbm>>)
    %dma_wait3A_385 = arith.constant 2176 : i32
    %dma_wait3A_386 = arith.constant 0 : i32
    %dma_wait3A_387 = arith.constant 0 : i32
    %dma_wait3A_388 = tpu.memref_slice %arg2[%dma_wait3A_385, %dma_wait3A_386, %dma_wait3A_387] : memref<8192x24x128xf32, #tpu.memory_space<hbm>> -> memref<128x16x128xf32, #tpu.memory_space<hbm>>
    tpu.wait_dma2 semaphore(%arg4 : memref<!tpu.dma_semaphore, #tpu.memory_space<semaphore_mem>>) src(%arg3 : memref<128x16x128xf32, #tpu.memory_space<vmem>>) dst(%dma_wait3A_388 : memref<128x16x128xf32, #tpu.memory_space<hbm>>)
    %dma_wait3A_389 = arith.constant 2304 : i32
    %dma_wait3A_390 = arith.constant 0 : i32
    %dma_wait3A_391 = arith.constant 0 : i32
    %dma_wait3A_392 = tpu.memref_slice %arg2[%dma_wait3A_389, %dma_wait3A_390, %dma_wait3A_391] : memref<8192x24x128xf32, #tpu.memory_space<hbm>> -> memref<128x16x128xf32, #tpu.memory_space<hbm>>
    tpu.wait_dma2 semaphore(%arg4 : memref<!tpu.dma_semaphore, #tpu.memory_space<semaphore_mem>>) src(%arg3 : memref<128x16x128xf32, #tpu.memory_space<vmem>>) dst(%dma_wait3A_392 : memref<128x16x128xf32, #tpu.memory_space<hbm>>)
    %dma_wait3A_393 = arith.constant 2432 : i32
    %dma_wait3A_394 = arith.constant 0 : i32
    %dma_wait3A_395 = arith.constant 0 : i32
    %dma_wait3A_396 = tpu.memref_slice %arg2[%dma_wait3A_393, %dma_wait3A_394, %dma_wait3A_395] : memref<8192x24x128xf32, #tpu.memory_space<hbm>> -> memref<128x16x128xf32, #tpu.memory_space<hbm>>
    tpu.wait_dma2 semaphore(%arg4 : memref<!tpu.dma_semaphore, #tpu.memory_space<semaphore_mem>>) src(%arg3 : memref<128x16x128xf32, #tpu.memory_space<vmem>>) dst(%dma_wait3A_396 : memref<128x16x128xf32, #tpu.memory_space<hbm>>)
    %dma_wait3A_397 = arith.constant 2560 : i32
    %dma_wait3A_398 = arith.constant 0 : i32
    %dma_wait3A_399 = arith.constant 0 : i32
    %dma_wait3A_400 = tpu.memref_slice %arg2[%dma_wait3A_397, %dma_wait3A_398, %dma_wait3A_399] : memref<8192x24x128xf32, #tpu.memory_space<hbm>> -> memref<128x16x128xf32, #tpu.memory_space<hbm>>
    tpu.wait_dma2 semaphore(%arg4 : memref<!tpu.dma_semaphore, #tpu.memory_space<semaphore_mem>>) src(%arg3 : memref<128x16x128xf32, #tpu.memory_space<vmem>>) dst(%dma_wait3A_400 : memref<128x16x128xf32, #tpu.memory_space<hbm>>)
    %dma_wait3A_401 = arith.constant 2688 : i32
    %dma_wait3A_402 = arith.constant 0 : i32
    %dma_wait3A_403 = arith.constant 0 : i32
    %dma_wait3A_404 = tpu.memref_slice %arg2[%dma_wait3A_401, %dma_wait3A_402, %dma_wait3A_403] : memref<8192x24x128xf32, #tpu.memory_space<hbm>> -> memref<128x16x128xf32, #tpu.memory_space<hbm>>
    tpu.wait_dma2 semaphore(%arg4 : memref<!tpu.dma_semaphore, #tpu.memory_space<semaphore_mem>>) src(%arg3 : memref<128x16x128xf32, #tpu.memory_space<vmem>>) dst(%dma_wait3A_404 : memref<128x16x128xf32, #tpu.memory_space<hbm>>)
    %dma_wait3A_405 = arith.constant 2816 : i32
    %dma_wait3A_406 = arith.constant 0 : i32
    %dma_wait3A_407 = arith.constant 0 : i32
    %dma_wait3A_408 = tpu.memref_slice %arg2[%dma_wait3A_405, %dma_wait3A_406, %dma_wait3A_407] : memref<8192x24x128xf32, #tpu.memory_space<hbm>> -> memref<128x16x128xf32, #tpu.memory_space<hbm>>
    tpu.wait_dma2 semaphore(%arg4 : memref<!tpu.dma_semaphore, #tpu.memory_space<semaphore_mem>>) src(%arg3 : memref<128x16x128xf32, #tpu.memory_space<vmem>>) dst(%dma_wait3A_408 : memref<128x16x128xf32, #tpu.memory_space<hbm>>)
    %dma_wait3A_409 = arith.constant 2944 : i32
    %dma_wait3A_410 = arith.constant 0 : i32
    %dma_wait3A_411 = arith.constant 0 : i32
    %dma_wait3A_412 = tpu.memref_slice %arg2[%dma_wait3A_409, %dma_wait3A_410, %dma_wait3A_411] : memref<8192x24x128xf32, #tpu.memory_space<hbm>> -> memref<128x16x128xf32, #tpu.memory_space<hbm>>
    tpu.wait_dma2 semaphore(%arg4 : memref<!tpu.dma_semaphore, #tpu.memory_space<semaphore_mem>>) src(%arg3 : memref<128x16x128xf32, #tpu.memory_space<vmem>>) dst(%dma_wait3A_412 : memref<128x16x128xf32, #tpu.memory_space<hbm>>)
    %dma_wait3A_413 = arith.constant 3072 : i32
    %dma_wait3A_414 = arith.constant 0 : i32
    %dma_wait3A_415 = arith.constant 0 : i32
    %dma_wait3A_416 = tpu.memref_slice %arg2[%dma_wait3A_413, %dma_wait3A_414, %dma_wait3A_415] : memref<8192x24x128xf32, #tpu.memory_space<hbm>> -> memref<128x16x128xf32, #tpu.memory_space<hbm>>
    tpu.wait_dma2 semaphore(%arg4 : memref<!tpu.dma_semaphore, #tpu.memory_space<semaphore_mem>>) src(%arg3 : memref<128x16x128xf32, #tpu.memory_space<vmem>>) dst(%dma_wait3A_416 : memref<128x16x128xf32, #tpu.memory_space<hbm>>)
    %dma_wait3A_417 = arith.constant 3200 : i32
    %dma_wait3A_418 = arith.constant 0 : i32
    %dma_wait3A_419 = arith.constant 0 : i32
    %dma_wait3A_420 = tpu.memref_slice %arg2[%dma_wait3A_417, %dma_wait3A_418, %dma_wait3A_419] : memref<8192x24x128xf32, #tpu.memory_space<hbm>> -> memref<128x16x128xf32, #tpu.memory_space<hbm>>
    tpu.wait_dma2 semaphore(%arg4 : memref<!tpu.dma_semaphore, #tpu.memory_space<semaphore_mem>>) src(%arg3 : memref<128x16x128xf32, #tpu.memory_space<vmem>>) dst(%dma_wait3A_420 : memref<128x16x128xf32, #tpu.memory_space<hbm>>)
    %dma_wait3A_421 = arith.constant 3328 : i32
    %dma_wait3A_422 = arith.constant 0 : i32
    %dma_wait3A_423 = arith.constant 0 : i32
    %dma_wait3A_424 = tpu.memref_slice %arg2[%dma_wait3A_421, %dma_wait3A_422, %dma_wait3A_423] : memref<8192x24x128xf32, #tpu.memory_space<hbm>> -> memref<128x16x128xf32, #tpu.memory_space<hbm>>
    tpu.wait_dma2 semaphore(%arg4 : memref<!tpu.dma_semaphore, #tpu.memory_space<semaphore_mem>>) src(%arg3 : memref<128x16x128xf32, #tpu.memory_space<vmem>>) dst(%dma_wait3A_424 : memref<128x16x128xf32, #tpu.memory_space<hbm>>)
    %dma_wait3A_425 = arith.constant 3456 : i32
    %dma_wait3A_426 = arith.constant 0 : i32
    %dma_wait3A_427 = arith.constant 0 : i32
    %dma_wait3A_428 = tpu.memref_slice %arg2[%dma_wait3A_425, %dma_wait3A_426, %dma_wait3A_427] : memref<8192x24x128xf32, #tpu.memory_space<hbm>> -> memref<128x16x128xf32, #tpu.memory_space<hbm>>
    tpu.wait_dma2 semaphore(%arg4 : memref<!tpu.dma_semaphore, #tpu.memory_space<semaphore_mem>>) src(%arg3 : memref<128x16x128xf32, #tpu.memory_space<vmem>>) dst(%dma_wait3A_428 : memref<128x16x128xf32, #tpu.memory_space<hbm>>)
    %dma_wait3A_429 = arith.constant 3584 : i32
    %dma_wait3A_430 = arith.constant 0 : i32
    %dma_wait3A_431 = arith.constant 0 : i32
    %dma_wait3A_432 = tpu.memref_slice %arg2[%dma_wait3A_429, %dma_wait3A_430, %dma_wait3A_431] : memref<8192x24x128xf32, #tpu.memory_space<hbm>> -> memref<128x16x128xf32, #tpu.memory_space<hbm>>
    tpu.wait_dma2 semaphore(%arg4 : memref<!tpu.dma_semaphore, #tpu.memory_space<semaphore_mem>>) src(%arg3 : memref<128x16x128xf32, #tpu.memory_space<vmem>>) dst(%dma_wait3A_432 : memref<128x16x128xf32, #tpu.memory_space<hbm>>)
    %dma_wait3A_433 = arith.constant 3712 : i32
    %dma_wait3A_434 = arith.constant 0 : i32
    %dma_wait3A_435 = arith.constant 0 : i32
    %dma_wait3A_436 = tpu.memref_slice %arg2[%dma_wait3A_433, %dma_wait3A_434, %dma_wait3A_435] : memref<8192x24x128xf32, #tpu.memory_space<hbm>> -> memref<128x16x128xf32, #tpu.memory_space<hbm>>
    tpu.wait_dma2 semaphore(%arg4 : memref<!tpu.dma_semaphore, #tpu.memory_space<semaphore_mem>>) src(%arg3 : memref<128x16x128xf32, #tpu.memory_space<vmem>>) dst(%dma_wait3A_436 : memref<128x16x128xf32, #tpu.memory_space<hbm>>)
    %dma_wait3A_437 = arith.constant 3840 : i32
    %dma_wait3A_438 = arith.constant 0 : i32
    %dma_wait3A_439 = arith.constant 0 : i32
    %dma_wait3A_440 = tpu.memref_slice %arg2[%dma_wait3A_437, %dma_wait3A_438, %dma_wait3A_439] : memref<8192x24x128xf32, #tpu.memory_space<hbm>> -> memref<128x16x128xf32, #tpu.memory_space<hbm>>
    tpu.wait_dma2 semaphore(%arg4 : memref<!tpu.dma_semaphore, #tpu.memory_space<semaphore_mem>>) src(%arg3 : memref<128x16x128xf32, #tpu.memory_space<vmem>>) dst(%dma_wait3A_440 : memref<128x16x128xf32, #tpu.memory_space<hbm>>)
    %dma_wait3A_441 = arith.constant 3968 : i32
    %dma_wait3A_442 = arith.constant 0 : i32
    %dma_wait3A_443 = arith.constant 0 : i32
    %dma_wait3A_444 = tpu.memref_slice %arg2[%dma_wait3A_441, %dma_wait3A_442, %dma_wait3A_443] : memref<8192x24x128xf32, #tpu.memory_space<hbm>> -> memref<128x16x128xf32, #tpu.memory_space<hbm>>
    tpu.wait_dma2 semaphore(%arg4 : memref<!tpu.dma_semaphore, #tpu.memory_space<semaphore_mem>>) src(%arg3 : memref<128x16x128xf32, #tpu.memory_space<vmem>>) dst(%dma_wait3A_444 : memref<128x16x128xf32, #tpu.memory_space<hbm>>)
    %dma_wait3A_445 = arith.constant 4096 : i32
    %dma_wait3A_446 = arith.constant 0 : i32
    %dma_wait3A_447 = arith.constant 0 : i32
    %dma_wait3A_448 = tpu.memref_slice %arg2[%dma_wait3A_445, %dma_wait3A_446, %dma_wait3A_447] : memref<8192x24x128xf32, #tpu.memory_space<hbm>> -> memref<128x16x128xf32, #tpu.memory_space<hbm>>
    tpu.wait_dma2 semaphore(%arg4 : memref<!tpu.dma_semaphore, #tpu.memory_space<semaphore_mem>>) src(%arg3 : memref<128x16x128xf32, #tpu.memory_space<vmem>>) dst(%dma_wait3A_448 : memref<128x16x128xf32, #tpu.memory_space<hbm>>)
    %dma_wait3A_449 = arith.constant 4224 : i32
    %dma_wait3A_450 = arith.constant 0 : i32
    %dma_wait3A_451 = arith.constant 0 : i32
    %dma_wait3A_452 = tpu.memref_slice %arg2[%dma_wait3A_449, %dma_wait3A_450, %dma_wait3A_451] : memref<8192x24x128xf32, #tpu.memory_space<hbm>> -> memref<128x16x128xf32, #tpu.memory_space<hbm>>
    tpu.wait_dma2 semaphore(%arg4 : memref<!tpu.dma_semaphore, #tpu.memory_space<semaphore_mem>>) src(%arg3 : memref<128x16x128xf32, #tpu.memory_space<vmem>>) dst(%dma_wait3A_452 : memref<128x16x128xf32, #tpu.memory_space<hbm>>)
    %dma_wait3A_453 = arith.constant 4352 : i32
    %dma_wait3A_454 = arith.constant 0 : i32
    %dma_wait3A_455 = arith.constant 0 : i32
    %dma_wait3A_456 = tpu.memref_slice %arg2[%dma_wait3A_453, %dma_wait3A_454, %dma_wait3A_455] : memref<8192x24x128xf32, #tpu.memory_space<hbm>> -> memref<128x16x128xf32, #tpu.memory_space<hbm>>
    tpu.wait_dma2 semaphore(%arg4 : memref<!tpu.dma_semaphore, #tpu.memory_space<semaphore_mem>>) src(%arg3 : memref<128x16x128xf32, #tpu.memory_space<vmem>>) dst(%dma_wait3A_456 : memref<128x16x128xf32, #tpu.memory_space<hbm>>)
    %dma_wait3A_457 = arith.constant 4480 : i32
    %dma_wait3A_458 = arith.constant 0 : i32
    %dma_wait3A_459 = arith.constant 0 : i32
    %dma_wait3A_460 = tpu.memref_slice %arg2[%dma_wait3A_457, %dma_wait3A_458, %dma_wait3A_459] : memref<8192x24x128xf32, #tpu.memory_space<hbm>> -> memref<128x16x128xf32, #tpu.memory_space<hbm>>
    tpu.wait_dma2 semaphore(%arg4 : memref<!tpu.dma_semaphore, #tpu.memory_space<semaphore_mem>>) src(%arg3 : memref<128x16x128xf32, #tpu.memory_space<vmem>>) dst(%dma_wait3A_460 : memref<128x16x128xf32, #tpu.memory_space<hbm>>)
    %dma_wait3A_461 = arith.constant 4608 : i32
    %dma_wait3A_462 = arith.constant 0 : i32
    %dma_wait3A_463 = arith.constant 0 : i32
    %dma_wait3A_464 = tpu.memref_slice %arg2[%dma_wait3A_461, %dma_wait3A_462, %dma_wait3A_463] : memref<8192x24x128xf32, #tpu.memory_space<hbm>> -> memref<128x16x128xf32, #tpu.memory_space<hbm>>
    tpu.wait_dma2 semaphore(%arg4 : memref<!tpu.dma_semaphore, #tpu.memory_space<semaphore_mem>>) src(%arg3 : memref<128x16x128xf32, #tpu.memory_space<vmem>>) dst(%dma_wait3A_464 : memref<128x16x128xf32, #tpu.memory_space<hbm>>)
    %dma_wait3A_465 = arith.constant 4736 : i32
    %dma_wait3A_466 = arith.constant 0 : i32
    %dma_wait3A_467 = arith.constant 0 : i32
    %dma_wait3A_468 = tpu.memref_slice %arg2[%dma_wait3A_465, %dma_wait3A_466, %dma_wait3A_467] : memref<8192x24x128xf32, #tpu.memory_space<hbm>> -> memref<128x16x128xf32, #tpu.memory_space<hbm>>
    tpu.wait_dma2 semaphore(%arg4 : memref<!tpu.dma_semaphore, #tpu.memory_space<semaphore_mem>>) src(%arg3 : memref<128x16x128xf32, #tpu.memory_space<vmem>>) dst(%dma_wait3A_468 : memref<128x16x128xf32, #tpu.memory_space<hbm>>)
    %dma_wait3A_469 = arith.constant 4864 : i32
    %dma_wait3A_470 = arith.constant 0 : i32
    %dma_wait3A_471 = arith.constant 0 : i32
    %dma_wait3A_472 = tpu.memref_slice %arg2[%dma_wait3A_469, %dma_wait3A_470, %dma_wait3A_471] : memref<8192x24x128xf32, #tpu.memory_space<hbm>> -> memref<128x16x128xf32, #tpu.memory_space<hbm>>
    tpu.wait_dma2 semaphore(%arg4 : memref<!tpu.dma_semaphore, #tpu.memory_space<semaphore_mem>>) src(%arg3 : memref<128x16x128xf32, #tpu.memory_space<vmem>>) dst(%dma_wait3A_472 : memref<128x16x128xf32, #tpu.memory_space<hbm>>)
    %dma_wait3A_473 = arith.constant 4992 : i32
    %dma_wait3A_474 = arith.constant 0 : i32
    %dma_wait3A_475 = arith.constant 0 : i32
    %dma_wait3A_476 = tpu.memref_slice %arg2[%dma_wait3A_473, %dma_wait3A_474, %dma_wait3A_475] : memref<8192x24x128xf32, #tpu.memory_space<hbm>> -> memref<128x16x128xf32, #tpu.memory_space<hbm>>
    tpu.wait_dma2 semaphore(%arg4 : memref<!tpu.dma_semaphore, #tpu.memory_space<semaphore_mem>>) src(%arg3 : memref<128x16x128xf32, #tpu.memory_space<vmem>>) dst(%dma_wait3A_476 : memref<128x16x128xf32, #tpu.memory_space<hbm>>)
    %dma_wait3A_477 = arith.constant 5120 : i32
    %dma_wait3A_478 = arith.constant 0 : i32
    %dma_wait3A_479 = arith.constant 0 : i32
    %dma_wait3A_480 = tpu.memref_slice %arg2[%dma_wait3A_477, %dma_wait3A_478, %dma_wait3A_479] : memref<8192x24x128xf32, #tpu.memory_space<hbm>> -> memref<128x16x128xf32, #tpu.memory_space<hbm>>
    tpu.wait_dma2 semaphore(%arg4 : memref<!tpu.dma_semaphore, #tpu.memory_space<semaphore_mem>>) src(%arg3 : memref<128x16x128xf32, #tpu.memory_space<vmem>>) dst(%dma_wait3A_480 : memref<128x16x128xf32, #tpu.memory_space<hbm>>)
    %dma_wait3A_481 = arith.constant 5248 : i32
    %dma_wait3A_482 = arith.constant 0 : i32
    %dma_wait3A_483 = arith.constant 0 : i32
    %dma_wait3A_484 = tpu.memref_slice %arg2[%dma_wait3A_481, %dma_wait3A_482, %dma_wait3A_483] : memref<8192x24x128xf32, #tpu.memory_space<hbm>> -> memref<128x16x128xf32, #tpu.memory_space<hbm>>
    tpu.wait_dma2 semaphore(%arg4 : memref<!tpu.dma_semaphore, #tpu.memory_space<semaphore_mem>>) src(%arg3 : memref<128x16x128xf32, #tpu.memory_space<vmem>>) dst(%dma_wait3A_484 : memref<128x16x128xf32, #tpu.memory_space<hbm>>)
    %dma_wait3A_485 = arith.constant 5376 : i32
    %dma_wait3A_486 = arith.constant 0 : i32
    %dma_wait3A_487 = arith.constant 0 : i32
    %dma_wait3A_488 = tpu.memref_slice %arg2[%dma_wait3A_485, %dma_wait3A_486, %dma_wait3A_487] : memref<8192x24x128xf32, #tpu.memory_space<hbm>> -> memref<128x16x128xf32, #tpu.memory_space<hbm>>
    tpu.wait_dma2 semaphore(%arg4 : memref<!tpu.dma_semaphore, #tpu.memory_space<semaphore_mem>>) src(%arg3 : memref<128x16x128xf32, #tpu.memory_space<vmem>>) dst(%dma_wait3A_488 : memref<128x16x128xf32, #tpu.memory_space<hbm>>)
    %dma_wait3A_489 = arith.constant 5504 : i32
    %dma_wait3A_490 = arith.constant 0 : i32
    %dma_wait3A_491 = arith.constant 0 : i32
    %dma_wait3A_492 = tpu.memref_slice %arg2[%dma_wait3A_489, %dma_wait3A_490, %dma_wait3A_491] : memref<8192x24x128xf32, #tpu.memory_space<hbm>> -> memref<128x16x128xf32, #tpu.memory_space<hbm>>
    tpu.wait_dma2 semaphore(%arg4 : memref<!tpu.dma_semaphore, #tpu.memory_space<semaphore_mem>>) src(%arg3 : memref<128x16x128xf32, #tpu.memory_space<vmem>>) dst(%dma_wait3A_492 : memref<128x16x128xf32, #tpu.memory_space<hbm>>)
    %dma_wait3A_493 = arith.constant 5632 : i32
    %dma_wait3A_494 = arith.constant 0 : i32
    %dma_wait3A_495 = arith.constant 0 : i32
    %dma_wait3A_496 = tpu.memref_slice %arg2[%dma_wait3A_493, %dma_wait3A_494, %dma_wait3A_495] : memref<8192x24x128xf32, #tpu.memory_space<hbm>> -> memref<128x16x128xf32, #tpu.memory_space<hbm>>
    tpu.wait_dma2 semaphore(%arg4 : memref<!tpu.dma_semaphore, #tpu.memory_space<semaphore_mem>>) src(%arg3 : memref<128x16x128xf32, #tpu.memory_space<vmem>>) dst(%dma_wait3A_496 : memref<128x16x128xf32, #tpu.memory_space<hbm>>)
    %dma_wait3A_497 = arith.constant 5760 : i32
    %dma_wait3A_498 = arith.constant 0 : i32
    %dma_wait3A_499 = arith.constant 0 : i32
    %dma_wait3A_500 = tpu.memref_slice %arg2[%dma_wait3A_497, %dma_wait3A_498, %dma_wait3A_499] : memref<8192x24x128xf32, #tpu.memory_space<hbm>> -> memref<128x16x128xf32, #tpu.memory_space<hbm>>
    tpu.wait_dma2 semaphore(%arg4 : memref<!tpu.dma_semaphore, #tpu.memory_space<semaphore_mem>>) src(%arg3 : memref<128x16x128xf32, #tpu.memory_space<vmem>>) dst(%dma_wait3A_500 : memref<128x16x128xf32, #tpu.memory_space<hbm>>)
    %dma_wait3A_501 = arith.constant 5888 : i32
    %dma_wait3A_502 = arith.constant 0 : i32
    %dma_wait3A_503 = arith.constant 0 : i32
    %dma_wait3A_504 = tpu.memref_slice %arg2[%dma_wait3A_501, %dma_wait3A_502, %dma_wait3A_503] : memref<8192x24x128xf32, #tpu.memory_space<hbm>> -> memref<128x16x128xf32, #tpu.memory_space<hbm>>
    tpu.wait_dma2 semaphore(%arg4 : memref<!tpu.dma_semaphore, #tpu.memory_space<semaphore_mem>>) src(%arg3 : memref<128x16x128xf32, #tpu.memory_space<vmem>>) dst(%dma_wait3A_504 : memref<128x16x128xf32, #tpu.memory_space<hbm>>)
    %dma_wait3A_505 = arith.constant 6016 : i32
    %dma_wait3A_506 = arith.constant 0 : i32
    %dma_wait3A_507 = arith.constant 0 : i32
    %dma_wait3A_508 = tpu.memref_slice %arg2[%dma_wait3A_505, %dma_wait3A_506, %dma_wait3A_507] : memref<8192x24x128xf32, #tpu.memory_space<hbm>> -> memref<128x16x128xf32, #tpu.memory_space<hbm>>
    tpu.wait_dma2 semaphore(%arg4 : memref<!tpu.dma_semaphore, #tpu.memory_space<semaphore_mem>>) src(%arg3 : memref<128x16x128xf32, #tpu.memory_space<vmem>>) dst(%dma_wait3A_508 : memref<128x16x128xf32, #tpu.memory_space<hbm>>)
    %dma_wait3A_509 = arith.constant 6144 : i32
    %dma_wait3A_510 = arith.constant 0 : i32
    %dma_wait3A_511 = arith.constant 0 : i32
    %dma_wait3A_512 = tpu.memref_slice %arg2[%dma_wait3A_509, %dma_wait3A_510, %dma_wait3A_511] : memref<8192x24x128xf32, #tpu.memory_space<hbm>> -> memref<128x16x128xf32, #tpu.memory_space<hbm>>
    tpu.wait_dma2 semaphore(%arg4 : memref<!tpu.dma_semaphore, #tpu.memory_space<semaphore_mem>>) src(%arg3 : memref<128x16x128xf32, #tpu.memory_space<vmem>>) dst(%dma_wait3A_512 : memref<128x16x128xf32, #tpu.memory_space<hbm>>)
    %dma_wait3A_513 = arith.constant 6272 : i32
    %dma_wait3A_514 = arith.constant 0 : i32
    %dma_wait3A_515 = arith.constant 0 : i32
    %dma_wait3A_516 = tpu.memref_slice %arg2[%dma_wait3A_513, %dma_wait3A_514, %dma_wait3A_515] : memref<8192x24x128xf32, #tpu.memory_space<hbm>> -> memref<128x16x128xf32, #tpu.memory_space<hbm>>
    tpu.wait_dma2 semaphore(%arg4 : memref<!tpu.dma_semaphore, #tpu.memory_space<semaphore_mem>>) src(%arg3 : memref<128x16x128xf32, #tpu.memory_space<vmem>>) dst(%dma_wait3A_516 : memref<128x16x128xf32, #tpu.memory_space<hbm>>)
    %dma_wait3A_517 = arith.constant 6400 : i32
    %dma_wait3A_518 = arith.constant 0 : i32
    %dma_wait3A_519 = arith.constant 0 : i32
    %dma_wait3A_520 = tpu.memref_slice %arg2[%dma_wait3A_517, %dma_wait3A_518, %dma_wait3A_519] : memref<8192x24x128xf32, #tpu.memory_space<hbm>> -> memref<128x16x128xf32, #tpu.memory_space<hbm>>
    tpu.wait_dma2 semaphore(%arg4 : memref<!tpu.dma_semaphore, #tpu.memory_space<semaphore_mem>>) src(%arg3 : memref<128x16x128xf32, #tpu.memory_space<vmem>>) dst(%dma_wait3A_520 : memref<128x16x128xf32, #tpu.memory_space<hbm>>)
    %dma_wait3A_521 = arith.constant 6528 : i32
    %dma_wait3A_522 = arith.constant 0 : i32
    %dma_wait3A_523 = arith.constant 0 : i32
    %dma_wait3A_524 = tpu.memref_slice %arg2[%dma_wait3A_521, %dma_wait3A_522, %dma_wait3A_523] : memref<8192x24x128xf32, #tpu.memory_space<hbm>> -> memref<128x16x128xf32, #tpu.memory_space<hbm>>
    tpu.wait_dma2 semaphore(%arg4 : memref<!tpu.dma_semaphore, #tpu.memory_space<semaphore_mem>>) src(%arg3 : memref<128x16x128xf32, #tpu.memory_space<vmem>>) dst(%dma_wait3A_524 : memref<128x16x128xf32, #tpu.memory_space<hbm>>)
    %dma_wait3A_525 = arith.constant 6656 : i32
    %dma_wait3A_526 = arith.constant 0 : i32
    %dma_wait3A_527 = arith.constant 0 : i32
    %dma_wait3A_528 = tpu.memref_slice %arg2[%dma_wait3A_525, %dma_wait3A_526, %dma_wait3A_527] : memref<8192x24x128xf32, #tpu.memory_space<hbm>> -> memref<128x16x128xf32, #tpu.memory_space<hbm>>
    tpu.wait_dma2 semaphore(%arg4 : memref<!tpu.dma_semaphore, #tpu.memory_space<semaphore_mem>>) src(%arg3 : memref<128x16x128xf32, #tpu.memory_space<vmem>>) dst(%dma_wait3A_528 : memref<128x16x128xf32, #tpu.memory_space<hbm>>)
    %dma_wait3A_529 = arith.constant 6784 : i32
    %dma_wait3A_530 = arith.constant 0 : i32
    %dma_wait3A_531 = arith.constant 0 : i32
    %dma_wait3A_532 = tpu.memref_slice %arg2[%dma_wait3A_529, %dma_wait3A_530, %dma_wait3A_531] : memref<8192x24x128xf32, #tpu.memory_space<hbm>> -> memref<128x16x128xf32, #tpu.memory_space<hbm>>
    tpu.wait_dma2 semaphore(%arg4 : memref<!tpu.dma_semaphore, #tpu.memory_space<semaphore_mem>>) src(%arg3 : memref<128x16x128xf32, #tpu.memory_space<vmem>>) dst(%dma_wait3A_532 : memref<128x16x128xf32, #tpu.memory_space<hbm>>)
    %dma_wait3A_533 = arith.constant 6912 : i32
    %dma_wait3A_534 = arith.constant 0 : i32
    %dma_wait3A_535 = arith.constant 0 : i32
    %dma_wait3A_536 = tpu.memref_slice %arg2[%dma_wait3A_533, %dma_wait3A_534, %dma_wait3A_535] : memref<8192x24x128xf32, #tpu.memory_space<hbm>> -> memref<128x16x128xf32, #tpu.memory_space<hbm>>
    tpu.wait_dma2 semaphore(%arg4 : memref<!tpu.dma_semaphore, #tpu.memory_space<semaphore_mem>>) src(%arg3 : memref<128x16x128xf32, #tpu.memory_space<vmem>>) dst(%dma_wait3A_536 : memref<128x16x128xf32, #tpu.memory_space<hbm>>)
    %dma_wait3A_537 = arith.constant 7040 : i32
    %dma_wait3A_538 = arith.constant 0 : i32
    %dma_wait3A_539 = arith.constant 0 : i32
    %dma_wait3A_540 = tpu.memref_slice %arg2[%dma_wait3A_537, %dma_wait3A_538, %dma_wait3A_539] : memref<8192x24x128xf32, #tpu.memory_space<hbm>> -> memref<128x16x128xf32, #tpu.memory_space<hbm>>
    tpu.wait_dma2 semaphore(%arg4 : memref<!tpu.dma_semaphore, #tpu.memory_space<semaphore_mem>>) src(%arg3 : memref<128x16x128xf32, #tpu.memory_space<vmem>>) dst(%dma_wait3A_540 : memref<128x16x128xf32, #tpu.memory_space<hbm>>)
    %dma_wait3A_541 = arith.constant 7168 : i32
    %dma_wait3A_542 = arith.constant 0 : i32
    %dma_wait3A_543 = arith.constant 0 : i32
    %dma_wait3A_544 = tpu.memref_slice %arg2[%dma_wait3A_541, %dma_wait3A_542, %dma_wait3A_543] : memref<8192x24x128xf32, #tpu.memory_space<hbm>> -> memref<128x16x128xf32, #tpu.memory_space<hbm>>
    tpu.wait_dma2 semaphore(%arg4 : memref<!tpu.dma_semaphore, #tpu.memory_space<semaphore_mem>>) src(%arg3 : memref<128x16x128xf32, #tpu.memory_space<vmem>>) dst(%dma_wait3A_544 : memref<128x16x128xf32, #tpu.memory_space<hbm>>)
    %dma_wait3A_545 = arith.constant 7296 : i32
    %dma_wait3A_546 = arith.constant 0 : i32
    %dma_wait3A_547 = arith.constant 0 : i32
    %dma_wait3A_548 = tpu.memref_slice %arg2[%dma_wait3A_545, %dma_wait3A_546, %dma_wait3A_547] : memref<8192x24x128xf32, #tpu.memory_space<hbm>> -> memref<128x16x128xf32, #tpu.memory_space<hbm>>
    tpu.wait_dma2 semaphore(%arg4 : memref<!tpu.dma_semaphore, #tpu.memory_space<semaphore_mem>>) src(%arg3 : memref<128x16x128xf32, #tpu.memory_space<vmem>>) dst(%dma_wait3A_548 : memref<128x16x128xf32, #tpu.memory_space<hbm>>)
    %dma_wait3A_549 = arith.constant 7424 : i32
    %dma_wait3A_550 = arith.constant 0 : i32
    %dma_wait3A_551 = arith.constant 0 : i32
    %dma_wait3A_552 = tpu.memref_slice %arg2[%dma_wait3A_549, %dma_wait3A_550, %dma_wait3A_551] : memref<8192x24x128xf32, #tpu.memory_space<hbm>> -> memref<128x16x128xf32, #tpu.memory_space<hbm>>
    tpu.wait_dma2 semaphore(%arg4 : memref<!tpu.dma_semaphore, #tpu.memory_space<semaphore_mem>>) src(%arg3 : memref<128x16x128xf32, #tpu.memory_space<vmem>>) dst(%dma_wait3A_552 : memref<128x16x128xf32, #tpu.memory_space<hbm>>)
    %dma_wait3A_553 = arith.constant 7552 : i32
    %dma_wait3A_554 = arith.constant 0 : i32
    %dma_wait3A_555 = arith.constant 0 : i32
    %dma_wait3A_556 = tpu.memref_slice %arg2[%dma_wait3A_553, %dma_wait3A_554, %dma_wait3A_555] : memref<8192x24x128xf32, #tpu.memory_space<hbm>> -> memref<128x16x128xf32, #tpu.memory_space<hbm>>
    tpu.wait_dma2 semaphore(%arg4 : memref<!tpu.dma_semaphore, #tpu.memory_space<semaphore_mem>>) src(%arg3 : memref<128x16x128xf32, #tpu.memory_space<vmem>>) dst(%dma_wait3A_556 : memref<128x16x128xf32, #tpu.memory_space<hbm>>)
    %dma_wait3A_557 = arith.constant 7680 : i32
    %dma_wait3A_558 = arith.constant 0 : i32
    %dma_wait3A_559 = arith.constant 0 : i32
    %dma_wait3A_560 = tpu.memref_slice %arg2[%dma_wait3A_557, %dma_wait3A_558, %dma_wait3A_559] : memref<8192x24x128xf32, #tpu.memory_space<hbm>> -> memref<128x16x128xf32, #tpu.memory_space<hbm>>
    tpu.wait_dma2 semaphore(%arg4 : memref<!tpu.dma_semaphore, #tpu.memory_space<semaphore_mem>>) src(%arg3 : memref<128x16x128xf32, #tpu.memory_space<vmem>>) dst(%dma_wait3A_560 : memref<128x16x128xf32, #tpu.memory_space<hbm>>)
    %dma_wait3A_561 = arith.constant 7808 : i32
    %dma_wait3A_562 = arith.constant 0 : i32
    %dma_wait3A_563 = arith.constant 0 : i32
    %dma_wait3A_564 = tpu.memref_slice %arg2[%dma_wait3A_561, %dma_wait3A_562, %dma_wait3A_563] : memref<8192x24x128xf32, #tpu.memory_space<hbm>> -> memref<128x16x128xf32, #tpu.memory_space<hbm>>
    tpu.wait_dma2 semaphore(%arg4 : memref<!tpu.dma_semaphore, #tpu.memory_space<semaphore_mem>>) src(%arg3 : memref<128x16x128xf32, #tpu.memory_space<vmem>>) dst(%dma_wait3A_564 : memref<128x16x128xf32, #tpu.memory_space<hbm>>)
    %dma_wait3A_565 = arith.constant 7936 : i32
    %dma_wait3A_566 = arith.constant 0 : i32
    %dma_wait3A_567 = arith.constant 0 : i32
    %dma_wait3A_568 = tpu.memref_slice %arg2[%dma_wait3A_565, %dma_wait3A_566, %dma_wait3A_567] : memref<8192x24x128xf32, #tpu.memory_space<hbm>> -> memref<128x16x128xf32, #tpu.memory_space<hbm>>
    tpu.wait_dma2 semaphore(%arg4 : memref<!tpu.dma_semaphore, #tpu.memory_space<semaphore_mem>>) src(%arg3 : memref<128x16x128xf32, #tpu.memory_space<vmem>>) dst(%dma_wait3A_568 : memref<128x16x128xf32, #tpu.memory_space<hbm>>)
    %dma_wait3A_569 = arith.constant 8064 : i32
    %dma_wait3A_570 = arith.constant 0 : i32
    %dma_wait3A_571 = arith.constant 0 : i32
    %dma_wait3A_572 = tpu.memref_slice %arg2[%dma_wait3A_569, %dma_wait3A_570, %dma_wait3A_571] : memref<8192x24x128xf32, #tpu.memory_space<hbm>> -> memref<128x16x128xf32, #tpu.memory_space<hbm>>
    tpu.wait_dma2 semaphore(%arg4 : memref<!tpu.dma_semaphore, #tpu.memory_space<semaphore_mem>>) src(%arg3 : memref<128x16x128xf32, #tpu.memory_space<vmem>>) dst(%dma_wait3A_572 : memref<128x16x128xf32, #tpu.memory_space<hbm>>)
    return
  }
}

</mosaic_0001>

<sc_bundles>
// kernel: kernel.4.cloned.1.call-start
scs
__scs_entry_jumppad:
0x0: {  	(pc) =	sbr.rel $0x88, $3  }
0x1: {  	(tag) =	ssettag $0x0;
	lr =	simm.s32 $0x1  }
0x2: {  	[smem:$0x3F9E] =	sst lr;
	_ =	strace $0xD0000000  }
0x3: {  	_ = 	snop  }
0x4: {  	_ = 	snop  }
0x5: {  	_ = 	snop  }
0x6: {  	_ = 	snop  }
0x7: {  	_ = 	snop  }
__scs_overlays_trampoline_lowered:
0x8: {  	[smem:$0x3FAD] =	sst s0  }
0x9: {  	[smem:$0x3FAE] =	sst s1  }
0xa: {  	[smem:$0x3FAF] =	sst s2  }
0xb: {  	[smem:$0x3FB0] =	sst s3  }
0xc: {  	[smem:$0x3FB1] =	sst s4  }
0xd: {  	[smem:$0x3FB2] =	sst s5  }
0xe: {  	[smem:$0x3FB3] =	sst s6  }
0xf: {  	[smem:$0x3FB4] =	sst s7  }
0x10: {  	[smem:$0x3FB5] =	sst s8  }
0x11: {  	[smem:$0x3FB6] =	sst s9;
	s0 =	simm.s32 @!p0 $0x0  }
0x12: {  	s1 =	sld [smem:$0x3F9C];
	s0 =	simm.s32 @p0 $0x1  }
0x13: {  	[smem:$0x3FB7] =	sst s0;
	s0 =	simm.s32 @!p1 $0x0  }
0x14: {  	s2 =	sld [smem:$0x3F9B];
	s0 =	simm.s32 @p1 $0x1  }
0x15: {  	[smem:$0x3FB8] =	sst s0;
	s0 =	simm.s32 @!p2 $0x0  }
0x16: {  	s3 =	sld [smem:$0x3FDB];
	s0 =	simm.s32 @p2 $0x1  }
0x17: {  	s4 =	simm.s32 $0x1BF5;
	[smem:$0x3FBA] =	sst s0  }
0x18: {  	s0 =	sld [smem:$0x3F9D];
	_ =	swait.ge [sflag:s4], $0x0  }
0x19: {  	s7 =	sld [smem:$0x3F9E]  }
0x1a: {  	s8 =	sadd.s32 $0xFFFFE003, lr  }
0x1b: {  	s9 =	sadd.s32 $0xFFFFFEF7, lr;
	s5 =	simm.s32 $0xFFFFFFFF;
	p2 =	slt.u32 s8, $0xFFFFF086  }
0x1c: {  	p1 =	slt.u32 s9, $0xF7A;
	s5 =	simm.s32 @!p2 $0x0  }
0x1d: {  	s5 =	simm.s32 @p1 $0x1;
	p0 =	seq.s32 s7, s2  }
0x1e: {  	s7 =	smul.u32 @!p0 $0xF7A, s2;
	p2 =	seq.s32 @!p0 s5, $0x0  }
0x1f: {  	s9 =	smul.u32 $0xF7A, s1;
	s8 =	simm.s32 @!p0 $0x1BF5;
	p2 =	por !p2, p0  }
0x20: {  	[sflag:s8] =	ssyncset.s32 @!p0 $0xFFFFF086;
	s6 =	sadd.s32 @!p0 s3, s7;
	s7 =	simm.s32 @!p0 $0x108  }
0x21: {  	s3 =	sadd.s32 s3, s9;
	s6 =	sadd.s32 @!p0 $0x88, s6;
	s7 =	simm.s32 @p2 $0x1082  }
0x22: {  	[simem:s7], [sflag:s8] =	dma.local @!p0 [hbm:s6], $0xF7A  }
0x23: {  	s9 =	sor.u32 $0xD0000000, s2;
	s6 =	simm.s32 $0x108;
	_ =	swait.ge @!p0 [sflag:s8], $0x0  }
0x24: {  	s3 =	sadd.s32 $0x88, s3;
	s6 =	simm.s32 @!p1 $0x1082;
	[sflag:s4] =	ssyncset.s32 $0xFFFFF086  }
0x25: {  	[simem:s6], [sflag:s4] =	dma.local [hbm:s3], $0xF7A  }
0x26: {  	[smem:$0x3F9E] =	sst s1;
	(tag) =	ssettag s2;
	_ =	strace s9  }
0x27: {  	s1 =	sld [smem:$0x3FAE]  }
0x28: {  	s2 =	sld [smem:$0x3FAF]  }
0x29: {  	s4 =	sld [smem:$0x3FB1]  }
0x2a: {  	p0 =	seq.s32 s5, $0x0;
	s5 =	sld [smem:$0x3FB2]  }
0x2b: {  	s6 =	sld [smem:$0x3FB3]  }
0x2c: {  	s7 =	sld [smem:$0x3FB4]  }
0x2d: {  	s3 =	simm.s32 $0x108;
	s8 =	sld [smem:$0x3FB5]  }
0x2e: {  	s3 =	simm.s32 @!p0 $0x1082;
	s9 =	sld [smem:$0x3FB6]  }
0x2f: {  	lr =	sadd.s32 s0, s3;
	s0 =	sld [smem:$0x3FAD]  }
0x30: {  	s3 =	sld [smem:$0x3FB0]  }
0x31: {  	[smem:$0x3FB9] =	sst s10  }
0x32: {  	s10 =	sld [smem:$0x3FB7];
	_ =	sdelay $0x3  }
0x33: {  	p0 =	seq.s32 s10, $0x1;
	s10 =	sld [smem:$0x3FB9];
	_ =	sdelay $0x3  }
0x34: {  	[smem:$0x3FB9] =	sst s10  }
0x35: {  	s10 =	sld [smem:$0x3FB8];
	_ =	sdelay $0x3  }
0x36: {  	p1 =	seq.s32 s10, $0x1;
	s10 =	sld [smem:$0x3FB9];
	_ =	sdelay $0x3  }
0x37: {  	[smem:$0x3FB9] =	sst s10  }
0x38: {  	s10 =	sld [smem:$0x3FBA]  }
0x39: {  	_ = 	snop;
	(pc) =	sbr.ind lr, $3  }
0x3a: {  	_ = 	snop  }
0x3b: {  	_ = 	snop  }
0x3c: {  	p2 =	seq.s32 s10, $0x1;
	s10 =	sld [smem:$0x3FB9]  }
0x3d: {  	_ =	shalt  }
0x3e: {  	_ =	shalt  }
0x3f: {  	_ =	shalt  }
0x40: {  	_ =	shalt  }
0x41: {  	_ =	shalt  }
0x42: {  	_ =	shalt  }
0x43: {  	_ =	shalt  }
0x44: {  	_ =	shalt  }
0x45: {  	_ =	shalt  }
0x46: {  	_ =	shalt  }
0x47: {  	_ =	shalt  }
0x48: {  	_ =	shalt  }
0x49: {  	_ =	shalt  }
0x4a: {  	_ =	shalt  }
0x4b: {  	_ =	shalt  }
0x4c: {  	_ =	shalt  }
0x4d: {  	_ =	shalt  }
0x4e: {  	_ =	shalt  }
0x4f: {  	_ =	shalt  }
0x50: {  	_ =	shalt  }
0x51: {  	_ =	shalt  }
0x52: {  	_ =	shalt  }
0x53: {  	_ =	shalt  }
0x54: {  	_ =	shalt  }
0x55: {  	_ =	shalt  }
0x56: {  	_ =	shalt  }
0x57: {  	_ =	shalt  }
0x58: {  	_ =	shalt  }
0x59: {  	_ =	shalt  }
0x5a: {  	_ =	shalt  }
0x5b: {  	_ =	shalt  }
0x5c: {  	_ =	shalt  }
0x5d: {  	_ =	shalt  }
0x5e: {  	_ =	shalt  }
0x5f: {  	_ =	shalt  }
0x60: {  	_ =	shalt  }
0x61: {  	_ =	shalt  }
0x62: {  	_ =	shalt  }
0x63: {  	_ =	shalt  }
0x64: {  	_ =	shalt  }
0x65: {  	_ =	shalt  }
0x66: {  	_ =	shalt  }
0x67: {  	_ =	shalt  }
0x68: {  	_ =	shalt  }
0x69: {  	_ =	shalt  }
0x6a: {  	_ =	shalt  }
0x6b: {  	_ =	shalt  }
0x6c: {  	_ =	shalt  }
0x6d: {  	_ =	shalt  }
0x6e: {  	_ =	shalt  }
0x6f: {  	_ =	shalt  }
0x70: {  	_ =	shalt  }
0x71: {  	_ =	shalt  }
0x72: {  	_ =	shalt  }
0x73: {  	_ =	shalt  }
0x74: {  	_ =	shalt  }
0x75: {  	_ =	shalt  }
0x76: {  	_ =	shalt  }
0x77: {  	_ =	shalt  }
0x78: {  	_ =	shalt  }
0x79: {  	_ =	shalt  }
0x7a: {  	_ =	shalt  }
0x7b: {  	_ =	shalt  }
0x7c: {  	_ =	shalt  }
0x7d: {  	_ =	shalt  }
0x7e: {  	_ =	shalt  }
0x7f: {  	_ =	shalt  }
0x80: {  	_ =	shalt  }
0x81: {  	_ =	shalt  }
0x82: {  	_ =	shalt  }
0x83: {  	_ =	shalt  }
0x84: {  	_ =	shalt  }
0x85: {  	_ =	shalt  }
0x86: {  	_ =	shalt  }
0x87: {  	_ =	shalt  }
.Lfunc_end0:
.L_simem_size_0:
called_computation_lowered:
.L_overlay_start_0:
0x88: {  	s2 =	sld [smem:$0x3FD9]  }
0x89: {  	s3 =	sld [smem:$0x3FFE];
	_ =	sdelay $0x1  }
0x8a: {  	s1 =	srdreg.scid  }
0x8b: {  	s0 =	sand.u32 $0x1, s1  }
0x8c: {  	s17 =	sshll.u32 s0, $0xA;
	s2 =	sadd.s32 s3, s2  }
0x8d: {  	s2 =	sadd.s32 s2, s17  }
0x8e: {  	[smem:$0x3FC5] =	sst s2  }
0x8f: {  	_ = 	snop  }
0x90: {  	s2 =	sld [smem:$0x3FC8]  }
0x91: {  	s18 =	sld [smem:$0x3FD0];
	(tm) =	ssettm $0x1  }
0x92: {  	s4 =	sld [smem:$0x3FFB];
	_ =	sdelay $0x3  }
0x93: {  	_ =	strace s4  }
0x94: {  	s4 =	sld [smem:$0x3FFC];
	_ =	sdelay $0x3  }
0x95: {  	_ =	strace s4  }
0x96: {  	s4 =	sld [smem:$0x3FFD];
	_ =	sdelay $0x3  }
0x97: {  	_ =	strace s4  }
0x98: {  	_ =	strace $0x8FFFFFFF  }
0x99: {  	s19 =	sld [smem:$0x3FDB];
	_ =	sdelay $0x1  }
0x9a: {  	s5 =	simm.s32 $_scs_section_size  }
0x9b: {  	s6 =	simm.s32 $_size__tile_overlayer_lowered;
	s7 =	simm.s32 $_tile_overlayer_lowered  }
0x9c: {  	s22 =	simm.s32 $0x1BFF;
	s21 =	sshll.u32 s7, $0x1;
	s4 =	sadd.s32 s5, s19  }
0x9d: {  	s8 =	simm.s32 $0x0;
	s20 =	sshll.u32 s6, $0x1;
	s6 =	sadd.s32 s21, s4  }
0x9e: {  	[timem:s8], [sflag:s22] =	dma.local [hbm:s6], s20  }
0x9f: {  	_ =	swait.ge [sflag:s22], s20  }
0xa0: {  	s5 =	ssub.s32 $0x0, s20;
	[sflag:s22] =	ssyncset.done $0x0  }
0xa1: {  	[sflag:s22] =	ssyncadd.s32 s5;
	_ =	sdelay $0x1  }
0xa2: {  	s23 =	simm.s32 $0x1B8B  }
0xa3: {  	_ =	swait.ge [sflag:s23], $0x1  }
0xa4: {  	[sflag:s23] =	ssyncset.done $0x0  }
0xa5: {  	s25 =	simm.s32 $0x1B8E;
	s24 =	sld [smem:$0x3FFE];
	[sflag:s23] =	ssyncadd.s32 $0xFFFFFFFF  }
0xa6: {  	s26 =	simm.s32 $execute0_lowered;
	[smem:$0x3FD2] =	sst s25  }
0xa7: {  	s6 =	sshll.u32 s26, $0x1;
	_ =	strace $0x80000046;
	[dreg:$0x1] =	wrdreg $0xFFFFFFFF  }
0xa8: {  	s28 =	simm.s32 $_size_execute0_lowered;
	s4 =	sadd.s32 s4, s6;
	[dreg:$0x0] =	wrdreg $0x0  }
0xa9: {  	s6 =	sshll.u32 s28, $0x1;
	[dreg:$0x2] =	wrdreg s4  }
0xaa: {  	[dreg:$0x3] =	wrdreg s6  }
0xab: {  	[dreg:$0x4] =	wrdreg $0xC0  }
0xac: {  	_ =	task [dreg:s8], $0x5FFFF  }
0xad: {  	[dreg:$0x1] =	wrdreg $0xFFFFFFFF  }
0xae: {  	[dreg:$0x0] =	wrdreg $0x60  }
0xaf: {  	[dreg:$0x2] =	wrdreg s24  }
0xb0: {  	[dreg:$0x3] =	wrdreg s2  }
0xb1: {  	[dreg:$0x4] =	wrdreg s18  }
0xb2: {  	[dreg:$0x5] =	wrdreg $0x9  }
0xb3: {  	_ =	task.clear_ibuf [dreg:s8], $0x6FFFF;
	_ =	strace $0x90000046  }
0xb4: {  	s29 =	simm.s32 $0x9;
	_ =	strace $0x80000048  }
0xb5: {  	_ =	swait.ge [sflag:s29], $0x1  }
0xb6: {  	[sflag:s29] =	ssyncadd.s32 $0xFFFFFFFF  }
0xb7: {  	_ =	strace $0x90000048  }
0xb8: {  	_ =	sfence  }
0xb9: {  	s30 =	sld [smem:$0x0];
	_ =	sdelay $0x2  }
0xba: {  	s31 =	sshll.u32 s1, $0xD;
	s1 =	sshrl.u32 s1, $0x2  }
0xbb: {  	s3 =	sand.u32 $0x4000, s31;
	s1 =	sadd.s32 s1, s30  }
0xbc: {  	s0 =	sor.u32 s3, s0;
	s1 =	sshll.u32 s1, $0x11  }
0xbd: {  	s0 =	sor.u32 s1, s0  }
0xbe: {  	s0 =	sadd.s32 $0x8F2B, s0  }
0xbf: {  	[sflag:s0] =	ssyncadd.remote.s32 $0x1  }
0xc0: {  	_ =	sfence.sel $0xFFFF  }
0xc1: {  	[dreg:$0x0] =	wrdreg $0xFFFFFFFF;
	(pc) =	sbr.abs _section_cstart, $3  }
0xc2: {  	[dreg:$0x1] =	wrdreg $0xFFFFFFFF  }
0xc3: {  	_ =	task.clear_ibuf [dreg:s8], $0x2FFFF;
	_ =	strace $0x9FFFFFFF  }
0xc4: {  	(tm) =	ssettm $0x7FFFFFFF  }
0xc5: {  	_ =	shalt  }
tec
execute0_lowered:
.L_overlay_start_1:
0x0: {  	(tag) =	ssettag $0x1  }
0x1: {  	s1 =	srdreg.scid;
	s0 =	stileid.u32  }
0x2: {  	s1 =	sand.u32 $0x1, s1;
	s3 =	sshll.u32 s0, $0x1  }
0x3: {  	s4 =	rddreg [dreg:$0x0];
	s23 =	sor.u32 s1, s3  }
0x4: {  	s2 =	rddreg [dreg:$0x1];
	s5 =	sshll.u32 s23, $0x7  }
0x5: {  	s24 =	rddreg [dreg:$0x2];
	s3 =	simm.s32 $0x0;
	s4 =	sadd.s32 s5, s4  }
0x6: {  	[smem:$0x7FF] =	sst s3;
	s4 =	sadd.s32 $0x600, s4  }
0x7: {  	_ =	strace $0x80000047;
	[dreg:$0x4] =	wrdreg s4  }
0x8: {  	s4 =	simm.s32 $0x7;
	s26 =	rddreg [dreg:$0x4]  }
0x9: {  	[tilespmem:s3], [sflag:$0x7] =	stream.linear.gather [hbm4b:s26+s3], $0x400, $0x38;
	[tilespmem:$0x18400] =	vst v63  }
0xa: {  	_ =	swait.ge [sflag:s4], $0x400  }
0xb: {  	[sflag:s4] =	ssyncset.done $0x0  }
0xc: {  	s6 =	simm.s32 $0x400;
	s5 =	simm.s32 $0x20;
	[sflag:s4] =	ssyncadd.s32 $0xFFFFFC00  }
0xd: {  	[tilespmem:s6], [sflag:$0x1] =	stream.indirect.gather [hbm4b:s2+s5], $0x400, s3, s5, $0xb8;
	[tilespmem:$0x18400] =	vst v63  }
0xe: {  	s7 =	simm.s32 $0x80;
	s8 =	simm.s32 $0x8400;
	s9 =	simm.s32 $0x100  }
0xf: {  	[tilespmem:s8], [sflag:$0x2] =	stream.indirect.gather [hbm4b:s2+s5], $0x400, s7, s5, $0xb8;
	[tilespmem:$0x18400] =	vst v63  }
0x10: {  	s10 =	simm.s32 $0x10400;
	s11 =	simm.s32 $0x1;
	s12 =	smul.u32 $0x18000, s23  }
0x11: {  	[tilespmem:s10], [sflag:$0x3] =	stream.indirect.gather [hbm4b:s2+s5], $0x400, s9, s5, $0xb8;
	[tilespmem:$0x18400] =	vst v63  }
0x12: {  	_ =	swait.ge [sflag:s11], $0x8000  }
0x13: {  	s13 =	simm.s32 $0xC00;
	s21 =	sadd.s32 s12, s24;
	[sflag:s11] =	ssyncset.done $0x0  }
0x14: {  	s14 =	simm.s32 $0x4;
	s12 =	sadd.s32 $0x100, s21;
	[sflag:s11] =	ssyncadd.s32 $0xFFFF8000  }
0x15: {  	[hbm4b:s12+s6] =	stream.strided.scatter [tilespmem:s6], [sflag:$0x4], $0x8000, s13, s6, $0x38;
	[tilespmem:$0x18400] =	vst v63  }
0x16: {  	_ =	swait.ge [sflag:s14], $0x8000  }
0x17: {  	[sflag:s14] =	ssyncset.done $0x0  }
0x18: {  	s15 =	simm.s32 $0x180;
	s16 =	simm.s32 $0x2;
	[sflag:s14] =	ssyncadd.s32 $0xFFFF8000  }
0x19: {  	[tilespmem:s6], [sflag:$0x1] =	stream.indirect.gather [hbm4b:s2+s5], $0x400, s15, s5, $0xb8;
	[tilespmem:$0x18400] =	vst v63  }
0x1a: {  	_ =	swait.ge [sflag:s16], $0x8000  }
0x1b: {  	[sflag:s16] =	ssyncset.done $0x0  }
0x1c: {  	s18 =	simm.s32 $0x5;
	s17 =	sadd.s32 $0x3100, s21;
	[sflag:s16] =	ssyncadd.s32 $0xFFFF8000  }
0x1d: {  	[hbm4b:s17+s6] =	stream.strided.scatter [tilespmem:s8], [sflag:$0x5], $0x8000, s13, s6, $0x38;
	[tilespmem:$0x18400] =	vst v63  }
0x1e: {  	_ =	swait.ge [sflag:s18], $0x8000  }
0x1f: {  	[sflag:s18] =	ssyncset.done $0x0  }
0x20: {  	s19 =	simm.s32 $0x200;
	s20 =	simm.s32 $0x3;
	[sflag:s18] =	ssyncadd.s32 $0xFFFF8000  }
0x21: {  	[tilespmem:s8], [sflag:$0x2] =	stream.indirect.gather [hbm4b:s2+s5], $0x400, s19, s5, $0xb8;
	[tilespmem:$0x18400] =	vst v63  }
0x22: {  	_ =	swait.ge [sflag:s20], $0x8000  }
0x23: {  	[sflag:s20] =	ssyncset.done $0x0  }
0x24: {  	s22 =	sadd.s32 $0x6100, s21;
	s21 =	simm.s32 $0x6;
	[sflag:s20] =	ssyncadd.s32 $0xFFFF8000  }
0x25: {  	[hbm4b:s22+s6] =	stream.strided.scatter [tilespmem:s10], [sflag:$0x6], $0x8000, s13, s6, $0x38;
	[tilespmem:$0x18400] =	vst v63  }
0x26: {  	_ =	swait.ge [sflag:s21], $0x8000  }
0x27: {  	[sflag:s21] =	ssyncset.done $0x0  }
0x28: {  	s25 =	smul.u32 $0xC0000, s23;
	s23 =	simm.s32 $0x280;
	[sflag:s21] =	ssyncadd.s32 $0xFFFF8000  }
0x29: {  	[tilespmem:s10], [sflag:$0x3] =	stream.indirect.gather [hbm4b:s2+s5], $0x400, s23, s5, $0xb8;
	[tilespmem:$0x18400] =	vst v63  }
0x2a: {  	s25 =	sshrl.u32 s25, $0x3;
	_ =	swait.ge [sflag:s11], $0x8000  }
0x2b: {  	s31 =	sadd.s32 s24, s25;
	[sflag:s11] =	ssyncset.done $0x0  }
0x2c: {  	s24 =	sadd.s32 $0x9100, s31;
	[sflag:s11] =	ssyncadd.s32 $0xFFFF8000  }
0x2d: {  	[hbm4b:s24+s6] =	stream.strided.scatter [tilespmem:s6], [sflag:$0x4], $0x8000, s13, s6, $0x38;
	[tilespmem:$0x18400] =	vst v63  }
0x2e: {  	_ =	swait.ge [sflag:s14], $0x8000  }
0x2f: {  	[sflag:s14] =	ssyncset.done $0x0  }
0x30: {  	s25 =	simm.s32 $0x300;
	[sflag:s14] =	ssyncadd.s32 $0xFFFF8000  }
0x31: {  	[tilespmem:s6], [sflag:$0x1] =	stream.indirect.gather [hbm4b:s2+s5], $0x400, s25, s5, $0xb8;
	[tilespmem:$0x18400] =	vst v63  }
0x32: {  	_ =	swait.ge [sflag:s16], $0x8000  }
0x33: {  	[sflag:s16] =	ssyncset.done $0x0  }
0x34: {  	s26 =	sadd.s32 $0xC100, s31;
	[sflag:s16] =	ssyncadd.s32 $0xFFFF8000  }
0x35: {  	[hbm4b:s26+s6] =	stream.strided.scatter [tilespmem:s8], [sflag:$0x5], $0x8000, s13, s6, $0x38;
	[tilespmem:$0x18400] =	vst v63  }
0x36: {  	_ =	swait.ge [sflag:s18], $0x8000  }
0x37: {  	[sflag:s18] =	ssyncset.done $0x0  }
0x38: {  	s28 =	simm.s32 $0x380;
	[sflag:s18] =	ssyncadd.s32 $0xFFFF8000  }
0x39: {  	[tilespmem:s8], [sflag:$0x2] =	stream.indirect.gather [hbm4b:s2+s5], $0x400, s28, s5, $0xb8;
	[tilespmem:$0x18400] =	vst v63  }
0x3a: {  	_ =	swait.ge [sflag:s20], $0x8000  }
0x3b: {  	[sflag:s20] =	ssyncset.done $0x0  }
0x3c: {  	s29 =	sadd.s32 $0xF100, s31;
	[sflag:s20] =	ssyncadd.s32 $0xFFFF8000  }
0x3d: {  	[hbm4b:s29+s6] =	stream.strided.scatter [tilespmem:s10], [sflag:$0x6], $0x8000, s13, s6, $0x38;
	[tilespmem:$0x18400] =	vst v63  }
0x3e: {  	_ =	swait.ge [sflag:s11], $0x8000  }
0x3f: {  	[sflag:s11] =	ssyncset.done $0x0  }
0x40: {  	s30 =	sadd.s32 $0x12100, s31;
	[sflag:s11] =	ssyncadd.s32 $0xFFFF8000  }
0x41: {  	[hbm4b:s30+s6] =	stream.strided.scatter [tilespmem:s6], [sflag:$0x4], $0x8000, s13, s6, $0x38;
	[tilespmem:$0x18400] =	vst v63  }
0x42: {  	s1 =	ssub.s32 $0x2, s1;
	_ =	swait.ge [sflag:s16], $0x8000  }
0x43: {  	s0 =	sshrl.u32 s1, $0x1;
	[sflag:s16] =	ssyncset.done $0x0  }
0x44: {  	s0 =	ssub.s32 s1, s0;
	s31 =	sadd.s32 $0x15100, s31;
	[sflag:s16] =	ssyncadd.s32 $0xFFFF8000  }
0x45: {  	[hbm4b:s31+s6] =	stream.strided.scatter [tilespmem:s8], [sflag:$0x5], $0x8000, s13, s6, $0x38;
	[tilespmem:$0x18400] =	vst v63  }
0x46: {  	s0 =	smax.u32 s0, $0x1;
	_ =	swait.ge [sflag:s14], $0x8000  }
0x47: {  	p0 =	sne.s32 s0, $0x1;
	[sflag:s14] =	ssyncset.done $0x0  }
.Ltmp0:
0x48: {  	[sflag:s14] =	ssyncadd.s32 $0xFFFF8000;
	(pc) =	sbr.rel @!p0 .LBB2_2-.Ltmp0, $4  }
0x49: {  	_ =	swait.ge [sflag:s18], $0x8000  }
0x4a: {  	[sflag:s18] =	ssyncset.done $0x0  }
0x4b: {  	[sflag:s18] =	ssyncadd.s32 $0xFFFF8000  }
0x4c: {  	s1 =	sadd.s32 $0xFFFFFFFF, s0;
	_ =	swait.ge [sflag:s21], $0x8000  }
.LBB2_1:
0x4d: {  	[sflag:s21] =	ssyncset.done $0x0  }
0x4e: {  	s0 =	rddreg [dreg:$0x4];
	[sflag:s21] =	ssyncadd.s32 $0xFFFF8000  }
0x4f: {  	[tilespmem:s3], [sflag:$0x7] =	stream.linear.gather [hbm4b:s0+s3], $0x400, $0x38;
	[tilespmem:$0x18400] =	vst v63  }
0x50: {  	_ =	swait.ge [sflag:s4], $0x400  }
0x51: {  	[sflag:s4] =	ssyncset.done $0x0  }
0x52: {  	[sflag:s4] =	ssyncadd.s32 $0xFFFFFC00  }
0x53: {  	[tilespmem:s6], [sflag:$0x1] =	stream.indirect.gather [hbm4b:s2+s5], $0x400, s3, s5, $0xb8;
	[tilespmem:$0x18400] =	vst v63  }
0x54: {  	_ = 	snop  }
0x55: {  	[tilespmem:s8], [sflag:$0x2] =	stream.indirect.gather [hbm4b:s2+s5], $0x400, s7, s5, $0xb8;
	[tilespmem:$0x18400] =	vst v63  }
0x56: {  	_ = 	snop  }
0x57: {  	[tilespmem:s10], [sflag:$0x3] =	stream.indirect.gather [hbm4b:s2+s5], $0x400, s9, s5, $0xb8;
	[tilespmem:$0x18400] =	vst v63  }
0x58: {  	_ =	swait.ge [sflag:s11], $0x8000  }
0x59: {  	[sflag:s11] =	ssyncset.done $0x0  }
0x5a: {  	[sflag:s11] =	ssyncadd.s32 $0xFFFF8000  }
0x5b: {  	[hbm4b:s12+s6] =	stream.strided.scatter [tilespmem:s6], [sflag:$0x4], $0x8000, s13, s6, $0x38;
	[tilespmem:$0x18400] =	vst v63  }
0x5c: {  	_ =	swait.ge [sflag:s14], $0x8000  }
0x5d: {  	[sflag:s14] =	ssyncset.done $0x0  }
0x5e: {  	[sflag:s14] =	ssyncadd.s32 $0xFFFF8000  }
0x5f: {  	[tilespmem:s6], [sflag:$0x1] =	stream.indirect.gather [hbm4b:s2+s5], $0x400, s15, s5, $0xb8;
	[tilespmem:$0x18400] =	vst v63  }
0x60: {  	_ =	swait.ge [sflag:s16], $0x8000  }
0x61: {  	[sflag:s16] =	ssyncset.done $0x0  }
0x62: {  	[sflag:s16] =	ssyncadd.s32 $0xFFFF8000  }
0x63: {  	[hbm4b:s17+s6] =	stream.strided.scatter [tilespmem:s8], [sflag:$0x5], $0x8000, s13, s6, $0x38;
	[tilespmem:$0x18400] =	vst v63  }
0x64: {  	_ =	swait.ge [sflag:s18], $0x8000  }
0x65: {  	[sflag:s18] =	ssyncset.done $0x0  }
0x66: {  	[sflag:s18] =	ssyncadd.s32 $0xFFFF8000  }
0x67: {  	[tilespmem:s8], [sflag:$0x2] =	stream.indirect.gather [hbm4b:s2+s5], $0x400, s19, s5, $0xb8;
	[tilespmem:$0x18400] =	vst v63  }
0x68: {  	_ =	swait.ge [sflag:s20], $0x8000  }
0x69: {  	[sflag:s20] =	ssyncset.done $0x0  }
0x6a: {  	[sflag:s20] =	ssyncadd.s32 $0xFFFF8000  }
0x6b: {  	[hbm4b:s22+s6] =	stream.strided.scatter [tilespmem:s10], [sflag:$0x6], $0x8000, s13, s6, $0x38;
	[tilespmem:$0x18400] =	vst v63  }
0x6c: {  	_ =	swait.ge [sflag:s21], $0x8000  }
0x6d: {  	[sflag:s21] =	ssyncset.done $0x0  }
0x6e: {  	[sflag:s21] =	ssyncadd.s32 $0xFFFF8000  }
0x6f: {  	[tilespmem:s10], [sflag:$0x3] =	stream.indirect.gather [hbm4b:s2+s5], $0x400, s23, s5, $0xb8;
	[tilespmem:$0x18400] =	vst v63  }
0x70: {  	_ =	swait.ge [sflag:s11], $0x8000  }
0x71: {  	[sflag:s11] =	ssyncset.done $0x0  }
0x72: {  	[sflag:s11] =	ssyncadd.s32 $0xFFFF8000  }
0x73: {  	[hbm4b:s24+s6] =	stream.strided.scatter [tilespmem:s6], [sflag:$0x4], $0x8000, s13, s6, $0x38;
	[tilespmem:$0x18400] =	vst v63  }
0x74: {  	_ =	swait.ge [sflag:s14], $0x8000  }
0x75: {  	[sflag:s14] =	ssyncset.done $0x0  }
0x76: {  	[sflag:s14] =	ssyncadd.s32 $0xFFFF8000  }
0x77: {  	[tilespmem:s6], [sflag:$0x1] =	stream.indirect.gather [hbm4b:s2+s5], $0x400, s25, s5, $0xb8;
	[tilespmem:$0x18400] =	vst v63  }
0x78: {  	_ =	swait.ge [sflag:s16], $0x8000  }
0x79: {  	[sflag:s16] =	ssyncset.done $0x0  }
0x7a: {  	[sflag:s16] =	ssyncadd.s32 $0xFFFF8000  }
0x7b: {  	[hbm4b:s26+s6] =	stream.strided.scatter [tilespmem:s8], [sflag:$0x5], $0x8000, s13, s6, $0x38;
	[tilespmem:$0x18400] =	vst v63  }
0x7c: {  	_ =	swait.ge [sflag:s18], $0x8000  }
0x7d: {  	[sflag:s18] =	ssyncset.done $0x0  }
0x7e: {  	[sflag:s18] =	ssyncadd.s32 $0xFFFF8000  }
0x7f: {  	[tilespmem:s8], [sflag:$0x2] =	stream.indirect.gather [hbm4b:s2+s5], $0x400, s28, s5, $0xb8;
	[tilespmem:$0x18400] =	vst v63  }
0x80: {  	_ =	swait.ge [sflag:s20], $0x8000  }
0x81: {  	[sflag:s20] =	ssyncset.done $0x0  }
0x82: {  	[sflag:s20] =	ssyncadd.s32 $0xFFFF8000  }
0x83: {  	[hbm4b:s29+s6] =	stream.strided.scatter [tilespmem:s10], [sflag:$0x6], $0x8000, s13, s6, $0x38;
	[tilespmem:$0x18400] =	vst v63  }
0x84: {  	_ =	swait.ge [sflag:s11], $0x8000  }
0x85: {  	[sflag:s11] =	ssyncset.done $0x0  }
0x86: {  	[sflag:s11] =	ssyncadd.s32 $0xFFFF8000  }
0x87: {  	[hbm4b:s30+s6] =	stream.strided.scatter [tilespmem:s6], [sflag:$0x4], $0x8000, s13, s6, $0x38;
	[tilespmem:$0x18400] =	vst v63  }
0x88: {  	_ =	swait.ge [sflag:s16], $0x8000  }
0x89: {  	[sflag:s16] =	ssyncset.done $0x0  }
0x8a: {  	[sflag:s16] =	ssyncadd.s32 $0xFFFF8000  }
0x8b: {  	[hbm4b:s31+s6] =	stream.strided.scatter [tilespmem:s8], [sflag:$0x5], $0x8000, s13, s6, $0x38;
	[tilespmem:$0x18400] =	vst v63  }
0x8c: {  	_ =	swait.ge [sflag:s14], $0x8000  }
0x8d: {  	p0 =	sne.s32 s1, $0x1;
	[sflag:s14] =	ssyncset.done $0x0  }
.Ltmp1:
0x8e: {  	[sflag:s14] =	ssyncadd.s32 $0xFFFF8000;
	(pc) =	sbr.rel @p0 .LBB2_1-.Ltmp1, $4  }
0x8f: {  	_ =	swait.ge [sflag:s18], $0x8000  }
0x90: {  	[sflag:s18] =	ssyncset.done $0x0  }
0x91: {  	[sflag:s18] =	ssyncadd.s32 $0xFFFF8000  }
0x92: {  	s1 =	sadd.s32 $0xFFFFFFFF, s1;
	_ =	swait.ge [sflag:s21], $0x8000  }
.LBB2_2:
0x93: {  	[sflag:s21] =	ssyncset.done $0x0  }
0x94: {  	[sflag:s21] =	ssyncadd.s32 $0xFFFF8000  }
0x95: {  	_ =	sfence.sel $0x180000  }
0x96: {  	[bflag:$0x0] =	sbarrier.arrive $0xFFFF  }
0x97: {  	_ =	strace $0x90000047  }
0x98: {  	s0 =	stileid.u32;
	[bflag:$0x2] =	sbarrier.arrive $0xFFFF  }
0x99: {  	p0 =	sne.s32 s0, $0x0;
	s0 =	rddreg [dreg:$0x3]  }
0x9a: {  	s0 =	sadd.s32 @!p0 $0x100000, s0  }
0x9b: {  	[sflag:s0] =	ssyncadd.tile.s32 @!p0 $0x1;
	_ =	shalt  }
.Lfunc_end2:
_tile_overlayer_lowered:
.L_overlay_start_2:
0x9c: {  	(tag) =	ssettag $0x2  }
0x9d: {  	s0 =	rddreg [dreg:$0x0];
	s2 =	stileid.u32  }
0x9e: {  	s1 =	rddreg [dreg:$0x1];
	p0 =	sne.s32 s2, $0x0  }
0x9f: {  	s3 =	rddreg [dreg:$0x2];
	[bflag:$0x3] =	sbarrier.arrive $0xFFFF;
	s2 =	simm.s32 @!p0 $0x1C07  }
0xa0: {  	[timem:s3], [sflag:s2] =	dma.local @!p0 [hbm:s0], s1  }
0xa1: {  	s0 =	simm.s32 @!p0 $0x7  }
0xa2: {  	_ =	swait.ge @!p0 [sflag:s0], s1  }
0xa3: {  	s1 =	ssub.s32 @!p0 $0x0, s1;
	[sflag:s0] =	ssyncset.done @!p0 $0x0  }
0xa4: {  	[sflag:s0] =	ssyncadd.s32 @!p0 s1  }
0xa5: {  	[bflag:$0x3] =	sbarrier.arrive $0xFFFF  }
0xa6: {  	_ =	shalt  }

</sc_bundles>
